<compile_context>
chip_gen: v7x
topology: tpu7x:2x2x1
jax: 0.10.2.dev20260603
libtpu: 0.0.44.dev20260713+nightly
codegen_flags: <defaults>
</compile_context>

<pallas_src>
import jax
import jax.numpy as jnp
from jax.experimental import pallas as pl
from jax.experimental.pallas import tpu as pltpu
from jax.experimental.pallas import tpu_sc as plsc

_ROWS = 4
_LANES = 16


def kernel(x, pos_table):
    B, T, D = x.shape
    nb = T // _ROWS
    mesh = plsc.VectorSubcoreMesh(core_axis_name="c", subcore_axis_name="s")

    @pl.kernel(out_type=jax.ShapeDtypeStruct(x.shape, x.dtype), mesh=mesh)
    def sc_kernel(x_hbm, pos_hbm, o_hbm):
        def body(xv, pos, ov):
            for b in range(B):
                xb = xv.at[b]
                ob = ov.at[b]

                @pl.loop(0, _ROWS)
                def _(r, xb=xb, ob=ob):
                    @plsc.parallel_loop(0, D, step=_LANES, unroll=8)
                    def _(c):
                        slc = (pl.ds(r, 1), pl.ds(c, _LANES))
                        ob.at[*slc][...] = xb.at[*slc][...] + pos.at[*slc][...]

        spec3 = pl.BlockSpec((B, _ROWS, D), lambda i: (0, i, 0))
        pltpu.emit_pipeline(
            body,
            grid=(nb,),
            in_specs=[spec3, pl.BlockSpec((_ROWS, D), lambda i: (i, 0))],
            out_specs=[spec3],
            core_axis_name=("c", "s"),
            dimension_semantics=(pltpu.PARALLEL,),
        )(x_hbm, pos_hbm, o_hbm)

    return sc_kernel(x, pos_table)

# --- scband reference (transcript-rebuilt; emitter-appended) ---
"""Pipeline reference for scband-position-embedding-27831388078785 (READ-ONLY COPY).

The authoritative reference and input builder live on the scoring server;
editing this copy changes nothing except your own understanding.
"""

import jax, jax.numpy as jnp
import numpy as np

MAXLEN = 8192
EMBED_DIM = 1024
BATCH = 4

def setup_inputs(seed: int = 0) -> dict:
    key = jax.random.key(seed)
    k1, k2 = jax.random.split(key)
    x = jax.random.normal(k1, (BATCH, MAXLEN, EMBED_DIM), dtype=jnp.float32)
    # learned position embedding table, sized per init_kwargs (maxlen, embed_dim)
    pos_table = jax.random.normal(k2, (MAXLEN, EMBED_DIM), dtype=jnp.float32) * 0.05
    return {"x": x, "pos_table": pos_table}

def reference(x, pos_table):
    # positions = tf.range(0, maxlen); pos = Embedding(positions); return x + pos
    positions = jnp.arange(MAXLEN, dtype=jnp.int32)
    pos = jnp.take(pos_table, positions, axis=0)  # [maxlen, embed_dim]
    return x + pos[None, :, :]

if __name__ == "__main__":
    import jax
    _d = setup_inputs()
    print(jax.jit(kernel)(*tuple(_d.values())))

</pallas_src>

<mosaic_0001>
#map = affine_map<(d0, d1) -> (0, 0, 0)>
#map1 = affine_map<(d0, d1) -> (0, 0)>
module attributes {stable_mosaic.version = 14 : i64} {
  func.func @sc_kernel(%arg0: i32, %arg1: i32, %arg2: memref<4x8192x1024xf32, #tpu.memory_space<hbm>>, %arg3: memref<8192x1024xf32, #tpu.memory_space<hbm>>, %arg4: memref<4x8192x1024xf32, #tpu.memory_space<hbm>>) attributes {dimension_semantics = [#tpu.dimension_semantics<core_parallel>, #tpu.dimension_semantics<subcore_parallel>], iteration_bounds = array<i64: 2, 16>, scalar_prefetch = 0 : i64, scratch_operands = 0 : i64, tpu.core_type = #tpu.core_type<sc_vector_subcore>, window_params = [{transform_indices = #map}, {transform_indices = #map1}, {transform_indices = #map}]} {
    %mul3A = arith.constant 1 : i32
    %mul3A_0 = arith.muli %arg1, %mul3A : i32
    %add3A = arith.constant 0 : i32
    %add3A_1 = arith.addi %add3A, %mul3A_0 : i32
    %mul3A_2 = arith.constant 16 : i32
    %mul3A_3 = arith.muli %arg0, %mul3A_2 : i32
    %add3A_4 = arith.addi %add3A_1, %mul3A_3 : i32
    %mul3A_5 = arith.constant 64 : i32
    %mul3A_6 = arith.muli %add3A_4, %mul3A_5 : i32
    "tpu.region"() ({
      %run_scoped3A = memref.alloca() : memref<2x4x4x1024xf32, #tpu.memory_space<vmem>>
      %run_scoped3A_7 = tpu.sem_alloc : memref<2x!tpu.dma_semaphore, #tpu.memory_space<semaphore_mem>>
      %run_scoped3A_8 = memref.alloca() : memref<2x4x1024xf32, #tpu.memory_space<vmem>>
      %run_scoped3A_9 = tpu.sem_alloc : memref<2x!tpu.dma_semaphore, #tpu.memory_space<semaphore_mem>>
      %run_scoped3A_10 = memref.alloca() : memref<2x4x4x1024xf32, #tpu.memory_space<vmem>>
      %run_scoped3A_11 = tpu.sem_alloc : memref<2x!tpu.dma_semaphore, #tpu.memory_space<semaphore_mem>>
      %add3A_12 = arith.constant 0 : i32
      %add3A_13 = arith.addi %add3A_12, %mul3A_6 : i32
      %select_n3A = arith.constant true
      %select_n3A_14 = arith.constant 0 : i32
      %select_n3A_15 = arith.constant -1 : i32
      %select_n3A_16 = arith.select %select_n3A, %select_n3A_15, %select_n3A_14 : i32
      %eq3A = arith.constant -1 : i32
      %eq3A_17 = arith.cmpi eq, %select_n3A_16, %eq3A : i32
      %select_n3A_18 = arith.constant 63 : i32
      %select_n3A_19 = arith.select %eq3A_17, %select_n3A_18, %select_n3A_16 : i32
      %add3A_20 = arith.addi %select_n3A_19, %mul3A_6 : i32
      %select_n3A_21 = arith.constant true
      %select_n3A_22 = arith.constant 0 : i32
      %select_n3A_23 = arith.constant 1 : i32
      %select_n3A_24 = arith.select %select_n3A_21, %select_n3A_23, %select_n3A_22 : i32
      %eq3A_25 = arith.constant 64 : i32
      %eq3A_26 = arith.cmpi eq, %select_n3A_24, %eq3A_25 : i32
      %select_n3A_27 = arith.constant 0 : i32
      %select_n3A_28 = arith.select %eq3A_26, %select_n3A_27, %select_n3A_24 : i32
      %add3A_29 = arith.addi %select_n3A_28, %mul3A_6 : i32
      %add3A_30 = arith.constant 1 : i32
      %add3A_31 = arith.addi %select_n3A_28, %add3A_30 : i32
      %select_n3A_32 = arith.constant true
      %select_n3A_33 = arith.select %select_n3A_32, %add3A_31, %select_n3A_28 : i32
      %eq3A_34 = arith.constant 64 : i32
      %eq3A_35 = arith.cmpi eq, %select_n3A_33, %eq3A_34 : i32
      %select_n3A_36 = arith.constant 0 : i32
      %select_n3A_37 = arith.select %eq3A_35, %select_n3A_36, %select_n3A_33 : i32
      %add3A_38 = arith.addi %select_n3A_37, %mul3A_6 : i32
      "tpu.trace_start"() <{level = 10 : i32, message = "ep_initialize_0"}> : () -> ()
      %rem3A = arith.constant 0 : i32
      %rem3A_39 = arith.constant 2 : i32
      %rem3A_40 = arith.remui %rem3A, %rem3A_39 : i32
      %mul3A_41 = arith.constant 4 : i32
      %mul3A_42 = arith.muli %mul3A_41, %add3A_13 : i32
      %dma_start3A = arith.constant 0 : i32
      %dma_start3A_43 = arith.constant 0 : i32
      %dma_start3A_44 = arith.constant 0 : i32
      %dma_start3A_45 = tpu.memref_slice %run_scoped3A[%rem3A_40, %dma_start3A, %dma_start3A_43, %dma_start3A_44] : memref<2x4x4x1024xf32, #tpu.memory_space<vmem>> -> memref<1x4x4x1024xf32, #tpu.memory_space<vmem>>
      %dma_start3A_46 = tpu.memref_squeeze %dma_start3A_45 : memref<1x4x4x1024xf32, #tpu.memory_space<vmem>> -> memref<4x4x1024xf32, #tpu.memory_space<vmem>>
      %dma_start3A_47 = arith.constant 0 : i32
      %dma_start3A_48 = arith.constant 0 : i32
      %dma_start3A_49 = tpu.memref_slice %arg2[%dma_start3A_47, %mul3A_42, %dma_start3A_48] : memref<4x8192x1024xf32, #tpu.memory_space<hbm>> -> memref<4x4x1024xf32, #tpu.memory_space<hbm>>
      %dma_start3A_50 = tpu.memref_slice %run_scoped3A_7[%rem3A_40] : memref<2x!tpu.dma_semaphore, #tpu.memory_space<semaphore_mem>> -> memref<1x!tpu.dma_semaphore, #tpu.memory_space<semaphore_mem>>
      %dma_start3A_51 = tpu.memref_squeeze %dma_start3A_50 : memref<1x!tpu.dma_semaphore, #tpu.memory_space<semaphore_mem>> -> memref<!tpu.dma_semaphore, #tpu.memory_space<semaphore_mem>>
      %dma_start3A_52 = arith.constant 0 : i32
      %dma_start3A_53 = arith.constant 0 : i32
      %dma_start3A_54 = arith.constant 0 : i32
      %dma_start3A_55 = tpu.memref_slice %run_scoped3A[%rem3A_40, %dma_start3A_52, %dma_start3A_53, %dma_start3A_54] : memref<2x4x4x1024xf32, #tpu.memory_space<vmem>> -> memref<1x4x4x1024xf32, #tpu.memory_space<vmem>>
      %dma_start3A_56 = tpu.memref_squeeze %dma_start3A_55 : memref<1x4x4x1024xf32, #tpu.memory_space<vmem>> -> memref<4x4x1024xf32, #tpu.memory_space<vmem>>
      %dma_start3A_57 = arith.constant 0 : i32
      %dma_start3A_58 = arith.constant 0 : i32
      %dma_start3A_59 = tpu.memref_slice %arg2[%dma_start3A_57, %mul3A_42, %dma_start3A_58] : memref<4x8192x1024xf32, #tpu.memory_space<hbm>> -> memref<4x4x1024xf32, #tpu.memory_space<hbm>>
      tpu.enqueue_dma source(%dma_start3A_59 : memref<4x4x1024xf32, #tpu.memory_space<hbm>>) target(%dma_start3A_56 : memref<4x4x1024xf32, #tpu.memory_space<vmem>>) target_semaphore(%dma_start3A_51 : memref<!tpu.dma_semaphore, #tpu.memory_space<semaphore_mem>>)
      %add3A_60 = arith.constant 0 : i32
      %add3A_61 = arith.constant 1 : i32
      %add3A_62 = arith.addi %add3A_60, %add3A_61 : i32
      %select_n3A_63 = arith.constant true
      %select_n3A_64 = arith.constant 0 : i32
      %select_n3A_65 = arith.select %select_n3A_63, %add3A_62, %select_n3A_64 : i32
      %rem3A_66 = arith.constant 0 : i32
      %rem3A_67 = arith.constant 2 : i32
      %rem3A_68 = arith.remui %rem3A_66, %rem3A_67 : i32
      %mul3A_69 = arith.constant 4 : i32
      %mul3A_70 = arith.muli %mul3A_69, %add3A_13 : i32
      %dma_start3A_71 = arith.constant 0 : i32
      %dma_start3A_72 = arith.constant 0 : i32
      %dma_start3A_73 = tpu.memref_slice %run_scoped3A_8[%rem3A_68, %dma_start3A_71, %dma_start3A_72] : memref<2x4x1024xf32, #tpu.memory_space<vmem>> -> memref<1x4x1024xf32, #tpu.memory_space<vmem>>
      %dma_start3A_74 = tpu.memref_squeeze %dma_start3A_73 : memref<1x4x1024xf32, #tpu.memory_space<vmem>> -> memref<4x1024xf32, #tpu.memory_space<vmem>>
      %dma_start3A_75 = arith.constant 0 : i32
      %dma_start3A_76 = tpu.memref_slice %arg3[%mul3A_70, %dma_start3A_75] : memref<8192x1024xf32, #tpu.memory_space<hbm>> -> memref<4x1024xf32, #tpu.memory_space<hbm>>
      %dma_start3A_77 = tpu.memref_slice %run_scoped3A_9[%rem3A_68] : memref<2x!tpu.dma_semaphore, #tpu.memory_space<semaphore_mem>> -> memref<1x!tpu.dma_semaphore, #tpu.memory_space<semaphore_mem>>
      %dma_start3A_78 = tpu.memref_squeeze %dma_start3A_77 : memref<1x!tpu.dma_semaphore, #tpu.memory_space<semaphore_mem>> -> memref<!tpu.dma_semaphore, #tpu.memory_space<semaphore_mem>>
      %dma_start3A_79 = arith.constant 0 : i32
      %dma_start3A_80 = arith.constant 0 : i32
      %dma_start3A_81 = tpu.memref_slice %run_scoped3A_8[%rem3A_68, %dma_start3A_79, %dma_start3A_80] : memref<2x4x1024xf32, #tpu.memory_space<vmem>> -> memref<1x4x1024xf32, #tpu.memory_space<vmem>>
      %dma_start3A_82 = tpu.memref_squeeze %dma_start3A_81 : memref<1x4x1024xf32, #tpu.memory_space<vmem>> -> memref<4x1024xf32, #tpu.memory_space<vmem>>
      %dma_start3A_83 = arith.constant 0 : i32
      %dma_start3A_84 = tpu.memref_slice %arg3[%mul3A_70, %dma_start3A_83] : memref<8192x1024xf32, #tpu.memory_space<hbm>> -> memref<4x1024xf32, #tpu.memory_space<hbm>>
      tpu.enqueue_dma source(%dma_start3A_84 : memref<4x1024xf32, #tpu.memory_space<hbm>>) target(%dma_start3A_82 : memref<4x1024xf32, #tpu.memory_space<vmem>>) target_semaphore(%dma_start3A_78 : memref<!tpu.dma_semaphore, #tpu.memory_space<semaphore_mem>>)
      %add3A_85 = arith.constant 0 : i32
      %add3A_86 = arith.constant 1 : i32
      %add3A_87 = arith.addi %add3A_85, %add3A_86 : i32
      %select_n3A_88 = arith.constant true
      %select_n3A_89 = arith.constant 0 : i32
      %select_n3A_90 = arith.select %select_n3A_88, %add3A_87, %select_n3A_89 : i32
      "tpu.trace_stop"() : () -> ()
      %scan3A = arith.constant 0 : i32
      %scan3A_91 = arith.constant 0 : i32
      %scan3A_92 = arith.constant 0 : i32
      %scan3A_93 = arith.constant 0 : i32
      %scan3A_94 = arith.constant 0 : i32
      %scan3A_95 = arith.constant 0 : i32
      %scan3A_96 = arith.constant 64 : i32
      %scan3A_97 = arith.addi %scan3A_95, %scan3A_96 : i32
      %scan3A_98 = arith.constant 1 : i32
      %scan3A_99:7 = scf.for %scan3A_157 = %scan3A_95 to %scan3A_97 step %scan3A_98 iter_args(%scan3A_158 = %select_n3A_65, %scan3A_159 = %scan3A, %scan3A_160 = %select_n3A_90, %scan3A_161 = %scan3A_91, %scan3A_162 = %scan3A_92, %scan3A_163 = %scan3A_93, %scan3A_164 = %scan3A_94) -> (i32, i32, i32, i32, i32, i32, i32)  : i32 {
        %eq3A_165 = arith.constant 0 : i32
        %eq3A_166 = arith.cmpi eq, %scan3A_157, %eq3A_165 : i32
        %eq3A_167 = arith.constant 63 : i32
        %eq3A_168 = arith.cmpi eq, %scan3A_157, %eq3A_167 : i32
        %add3A_169 = arith.addi %scan3A_164, %mul3A_6 : i32
        %sub3A_170 = arith.constant 1 : i32
        %sub3A_171 = arith.subi %scan3A_164, %sub3A_170 : i32
        %select_n3A_172 = arith.constant true
        %select_n3A_173 = arith.select %select_n3A_172, %sub3A_171, %scan3A_164 : i32
        %eq3A_174 = arith.constant -1 : i32
        %eq3A_175 = arith.cmpi eq, %select_n3A_173, %eq3A_174 : i32
        %select_n3A_176 = arith.constant 63 : i32
        %select_n3A_177 = arith.select %eq3A_175, %select_n3A_176, %select_n3A_173 : i32
        %add3A_178 = arith.addi %select_n3A_177, %mul3A_6 : i32
        %add3A_179 = arith.constant 1 : i32
        %add3A_180 = arith.addi %scan3A_164, %add3A_179 : i32
        %select_n3A_181 = arith.constant true
        %select_n3A_182 = arith.select %select_n3A_181, %add3A_180, %scan3A_164 : i32
        %eq3A_183 = arith.constant 64 : i32
        %eq3A_184 = arith.cmpi eq, %select_n3A_182, %eq3A_183 : i32
        %select_n3A_185 = arith.constant 0 : i32
        %select_n3A_186 = arith.select %eq3A_184, %select_n3A_185, %select_n3A_182 : i32
        %add3A_187 = arith.addi %select_n3A_186, %mul3A_6 : i32
        %add3A_188 = arith.constant 1 : i32
        %add3A_189 = arith.addi %select_n3A_186, %add3A_188 : i32
        %select_n3A_190 = arith.constant true
        %select_n3A_191 = arith.select %select_n3A_190, %add3A_189, %select_n3A_186 : i32
        %eq3A_192 = arith.constant 64 : i32
        %eq3A_193 = arith.cmpi eq, %select_n3A_191, %eq3A_192 : i32
        %select_n3A_194 = arith.constant 0 : i32
        %select_n3A_195 = arith.select %eq3A_193, %select_n3A_194, %select_n3A_191 : i32
        %add3A_196 = arith.addi %select_n3A_195, %mul3A_6 : i32
        %ne3A = arith.cmpi ne, %add3A_169, %add3A_187 : i32
        %or3A = arith.constant false
        %or3A_197 = arith.ori %or3A, %ne3A : i1
        %or3A_198 = arith.constant false
        %or3A_199 = arith.ori %or3A_197, %or3A_198 : i1
        %ge3A = arith.constant 63 : i32
        %ge3A_200 = arith.cmpi sge, %scan3A_157, %ge3A : i32
        %not3A = arith.constant true
        %not3A_201 = arith.xori %ge3A_200, %not3A : i1
        %and3A = arith.andi %or3A_199, %not3A_201 : i1
        %convert_element_type3A = arith.extui %and3A : i1 to i32
        %cond3A = arith.constant 0 : i32
        %cond3A_202 = arith.cmpi ne, %convert_element_type3A, %cond3A : i32
        scf.if %cond3A_202 {
          "tpu.trace_start"() <{level = 10 : i32, message = "ep_copy_in"}> : () -> ()
          %rem3A_401 = arith.constant 2 : i32
          %rem3A_402 = arith.remui %scan3A_158, %rem3A_401 : i32
          %mul3A_403 = arith.constant 4 : i32
          %mul3A_404 = arith.muli %mul3A_403, %add3A_187 : i32
          %dma_start3A_405 = arith.constant 0 : i32
          %dma_start3A_406 = arith.constant 0 : i32
          %dma_start3A_407 = arith.constant 0 : i32
          %dma_start3A_408 = tpu.memref_slice %run_scoped3A[%rem3A_402, %dma_start3A_405, %dma_start3A_406, %dma_start3A_407] : memref<2x4x4x1024xf32, #tpu.memory_space<vmem>> -> memref<1x4x4x1024xf32, #tpu.memory_space<vmem>>
          %dma_start3A_409 = tpu.memref_squeeze %dma_start3A_408 : memref<1x4x4x1024xf32, #tpu.memory_space<vmem>> -> memref<4x4x1024xf32, #tpu.memory_space<vmem>>
          %dma_start3A_410 = arith.constant 0 : i32
          %dma_start3A_411 = arith.constant 0 : i32
          %dma_start3A_412 = tpu.memref_slice %arg2[%dma_start3A_410, %mul3A_404, %dma_start3A_411] : memref<4x8192x1024xf32, #tpu.memory_space<hbm>> -> memref<4x4x1024xf32, #tpu.memory_space<hbm>>
          %dma_start3A_413 = tpu.memref_slice %run_scoped3A_7[%rem3A_402] : memref<2x!tpu.dma_semaphore, #tpu.memory_space<semaphore_mem>> -> memref<1x!tpu.dma_semaphore, #tpu.memory_space<semaphore_mem>>
          %dma_start3A_414 = tpu.memref_squeeze %dma_start3A_413 : memref<1x!tpu.dma_semaphore, #tpu.memory_space<semaphore_mem>> -> memref<!tpu.dma_semaphore, #tpu.memory_space<semaphore_mem>>
          %dma_start3A_415 = arith.constant 0 : i32
          %dma_start3A_416 = arith.constant 0 : i32
          %dma_start3A_417 = arith.constant 0 : i32
          %dma_start3A_418 = tpu.memref_slice %run_scoped3A[%rem3A_402, %dma_start3A_415, %dma_start3A_416, %dma_start3A_417] : memref<2x4x4x1024xf32, #tpu.memory_space<vmem>> -> memref<1x4x4x1024xf32, #tpu.memory_space<vmem>>
          %dma_start3A_419 = tpu.memref_squeeze %dma_start3A_418 : memref<1x4x4x1024xf32, #tpu.memory_space<vmem>> -> memref<4x4x1024xf32, #tpu.memory_space<vmem>>
          %dma_start3A_420 = arith.constant 0 : i32
          %dma_start3A_421 = arith.constant 0 : i32
          %dma_start3A_422 = tpu.memref_slice %arg2[%dma_start3A_420, %mul3A_404, %dma_start3A_421] : memref<4x8192x1024xf32, #tpu.memory_space<hbm>> -> memref<4x4x1024xf32, #tpu.memory_space<hbm>>
          tpu.enqueue_dma source(%dma_start3A_422 : memref<4x4x1024xf32, #tpu.memory_space<hbm>>) target(%dma_start3A_419 : memref<4x4x1024xf32, #tpu.memory_space<vmem>>) target_semaphore(%dma_start3A_414 : memref<!tpu.dma_semaphore, #tpu.memory_space<semaphore_mem>>)
          "tpu.trace_stop"() : () -> ()
        } else {
        }
        %and3A_203 = arith.constant true
        %and3A_204 = arith.andi %and3A, %and3A_203 : i1
        %add3A_205 = arith.constant 1 : i32
        %add3A_206 = arith.addi %scan3A_158, %add3A_205 : i32
        %select_n3A_207 = arith.select %and3A_204, %add3A_206, %scan3A_158 : i32
        %ne3A_208 = arith.cmpi ne, %add3A_169, %add3A_187 : i32
        %or3A_209 = arith.constant false
        %or3A_210 = arith.ori %or3A_209, %ne3A_208 : i1
        %or3A_211 = arith.constant false
        %or3A_212 = arith.ori %or3A_210, %or3A_211 : i1
        %ge3A_213 = arith.constant 63 : i32
        %ge3A_214 = arith.cmpi sge, %scan3A_157, %ge3A_213 : i32
        %not3A_215 = arith.constant true
        %not3A_216 = arith.xori %ge3A_214, %not3A_215 : i1
        %and3A_217 = arith.andi %or3A_212, %not3A_216 : i1
        %convert_element_type3A_218 = arith.extui %and3A_217 : i1 to i32
        %cond3A_219 = arith.constant 0 : i32
        %cond3A_220 = arith.cmpi ne, %convert_element_type3A_218, %cond3A_219 : i32
        scf.if %cond3A_220 {
          "tpu.trace_start"() <{level = 10 : i32, message = "ep_copy_in"}> : () -> ()
          %rem3A_401 = arith.constant 2 : i32
          %rem3A_402 = arith.remui %scan3A_160, %rem3A_401 : i32
          %mul3A_403 = arith.constant 4 : i32
          %mul3A_404 = arith.muli %mul3A_403, %add3A_187 : i32
          %dma_start3A_405 = arith.constant 0 : i32
          %dma_start3A_406 = arith.constant 0 : i32
          %dma_start3A_407 = tpu.memref_slice %run_scoped3A_8[%rem3A_402, %dma_start3A_405, %dma_start3A_406] : memref<2x4x1024xf32, #tpu.memory_space<vmem>> -> memref<1x4x1024xf32, #tpu.memory_space<vmem>>
          %dma_start3A_408 = tpu.memref_squeeze %dma_start3A_407 : memref<1x4x1024xf32, #tpu.memory_space<vmem>> -> memref<4x1024xf32, #tpu.memory_space<vmem>>
          %dma_start3A_409 = arith.constant 0 : i32
          %dma_start3A_410 = tpu.memref_slice %arg3[%mul3A_404, %dma_start3A_409] : memref<8192x1024xf32, #tpu.memory_space<hbm>> -> memref<4x1024xf32, #tpu.memory_space<hbm>>
          %dma_start3A_411 = tpu.memref_slice %run_scoped3A_9[%rem3A_402] : memref<2x!tpu.dma_semaphore, #tpu.memory_space<semaphore_mem>> -> memref<1x!tpu.dma_semaphore, #tpu.memory_space<semaphore_mem>>
          %dma_start3A_412 = tpu.memref_squeeze %dma_start3A_411 : memref<1x!tpu.dma_semaphore, #tpu.memory_space<semaphore_mem>> -> memref<!tpu.dma_semaphore, #tpu.memory_space<semaphore_mem>>
          %dma_start3A_413 = arith.constant 0 : i32
          %dma_start3A_414 = arith.constant 0 : i32
          %dma_start3A_415 = tpu.memref_slice %run_scoped3A_8[%rem3A_402, %dma_start3A_413, %dma_start3A_414] : memref<2x4x1024xf32, #tpu.memory_space<vmem>> -> memref<1x4x1024xf32, #tpu.memory_space<vmem>>
          %dma_start3A_416 = tpu.memref_squeeze %dma_start3A_415 : memref<1x4x1024xf32, #tpu.memory_space<vmem>> -> memref<4x1024xf32, #tpu.memory_space<vmem>>
          %dma_start3A_417 = arith.constant 0 : i32
          %dma_start3A_418 = tpu.memref_slice %arg3[%mul3A_404, %dma_start3A_417] : memref<8192x1024xf32, #tpu.memory_space<hbm>> -> memref<4x1024xf32, #tpu.memory_space<hbm>>
          tpu.enqueue_dma source(%dma_start3A_418 : memref<4x1024xf32, #tpu.memory_space<hbm>>) target(%dma_start3A_416 : memref<4x1024xf32, #tpu.memory_space<vmem>>) target_semaphore(%dma_start3A_412 : memref<!tpu.dma_semaphore, #tpu.memory_space<semaphore_mem>>)
          "tpu.trace_stop"() : () -> ()
        } else {
        }
        %and3A_221 = arith.constant true
        %and3A_222 = arith.andi %and3A_217, %and3A_221 : i1
        %add3A_223 = arith.constant 1 : i32
        %add3A_224 = arith.addi %scan3A_160, %add3A_223 : i32
        %select_n3A_225 = arith.select %and3A_222, %add3A_224, %scan3A_160 : i32
        %ne3A_226 = arith.cmpi ne, %add3A_169, %add3A_187 : i32
        %or3A_227 = arith.constant false
        %or3A_228 = arith.ori %or3A_227, %ne3A_226 : i1
        %or3A_229 = arith.constant false
        %or3A_230 = arith.ori %or3A_228, %or3A_229 : i1
        %ge3A_231 = arith.constant 63 : i32
        %ge3A_232 = arith.cmpi sge, %scan3A_157, %ge3A_231 : i32
        %not3A_233 = arith.constant true
        %not3A_234 = arith.xori %ge3A_232, %not3A_233 : i1
        %and3A_235 = arith.andi %or3A_230, %not3A_234 : i1
        %ne3A_236 = arith.cmpi ne, %add3A_169, %add3A_178 : i32
        %or3A_237 = arith.constant false
        %or3A_238 = arith.ori %or3A_237, %ne3A_236 : i1
        %or3A_239 = arith.constant false
        %or3A_240 = arith.ori %or3A_238, %or3A_239 : i1
        %or3A_241 = arith.ori %or3A_240, %eq3A_166 : i1
        %convert_element_type3A_242 = arith.extui %or3A_241 : i1 to i32
        %cond3A_243 = arith.constant 0 : i32
        %cond3A_244 = arith.cmpi ne, %convert_element_type3A_242, %cond3A_243 : i32
        scf.if %cond3A_244 {
          "tpu.trace_start"() <{level = 10 : i32, message = "ep_wait_in"}> : () -> ()
          %mul3A_401 = arith.constant 4 : i32
          %mul3A_402 = arith.muli %mul3A_401, %add3A_169 : i32
          %rem3A_403 = arith.constant 2 : i32
          %rem3A_404 = arith.remui %scan3A_159, %rem3A_403 : i32
          %dma_wait3A_405 = arith.constant 0 : i32
          %dma_wait3A_406 = arith.constant 0 : i32
          %dma_wait3A_407 = arith.constant 0 : i32
          %dma_wait3A_408 = tpu.memref_slice %run_scoped3A[%rem3A_404, %dma_wait3A_405, %dma_wait3A_406, %dma_wait3A_407] : memref<2x4x4x1024xf32, #tpu.memory_space<vmem>> -> memref<1x4x4x1024xf32, #tpu.memory_space<vmem>>
          %dma_wait3A_409 = tpu.memref_squeeze %dma_wait3A_408 : memref<1x4x4x1024xf32, #tpu.memory_space<vmem>> -> memref<4x4x1024xf32, #tpu.memory_space<vmem>>
          %dma_wait3A_410 = arith.constant 0 : i32
          %dma_wait3A_411 = arith.constant 0 : i32
          %dma_wait3A_412 = tpu.memref_slice %arg2[%dma_wait3A_410, %mul3A_402, %dma_wait3A_411] : memref<4x8192x1024xf32, #tpu.memory_space<hbm>> -> memref<4x4x1024xf32, #tpu.memory_space<hbm>>
          %dma_wait3A_413 = tpu.memref_slice %run_scoped3A_7[%rem3A_404] : memref<2x!tpu.dma_semaphore, #tpu.memory_space<semaphore_mem>> -> memref<1x!tpu.dma_semaphore, #tpu.memory_space<semaphore_mem>>
          %dma_wait3A_414 = tpu.memref_squeeze %dma_wait3A_413 : memref<1x!tpu.dma_semaphore, #tpu.memory_space<semaphore_mem>> -> memref<!tpu.dma_semaphore, #tpu.memory_space<semaphore_mem>>
          %dma_wait3A_415 = arith.constant 0 : i32
          %dma_wait3A_416 = arith.constant 0 : i32
          %dma_wait3A_417 = arith.constant 0 : i32
          %dma_wait3A_418 = tpu.memref_slice %run_scoped3A[%rem3A_404, %dma_wait3A_415, %dma_wait3A_416, %dma_wait3A_417] : memref<2x4x4x1024xf32, #tpu.memory_space<vmem>> -> memref<1x4x4x1024xf32, #tpu.memory_space<vmem>>
          %dma_wait3A_419 = tpu.memref_squeeze %dma_wait3A_418 : memref<1x4x4x1024xf32, #tpu.memory_space<vmem>> -> memref<4x4x1024xf32, #tpu.memory_space<vmem>>
          %dma_wait3A_420 = arith.constant 0 : i32
          %dma_wait3A_421 = arith.constant 0 : i32
          %dma_wait3A_422 = tpu.memref_slice %arg2[%dma_wait3A_420, %mul3A_402, %dma_wait3A_421] : memref<4x8192x1024xf32, #tpu.memory_space<hbm>> -> memref<4x4x1024xf32, #tpu.memory_space<hbm>>
          tpu.wait_dma2 semaphore(%dma_wait3A_414 : memref<!tpu.dma_semaphore, #tpu.memory_space<semaphore_mem>>) src(%dma_wait3A_422 : memref<4x4x1024xf32, #tpu.memory_space<hbm>>) dst(%dma_wait3A_419 : memref<4x4x1024xf32, #tpu.memory_space<vmem>>)
          "tpu.trace_stop"() : () -> ()
        } else {
        }
        %ne3A_245 = arith.cmpi ne, %add3A_169, %add3A_178 : i32
        %or3A_246 = arith.constant false
        %or3A_247 = arith.ori %or3A_246, %ne3A_245 : i1
        %or3A_248 = arith.constant false
        %or3A_249 = arith.ori %or3A_247, %or3A_248 : i1
        %or3A_250 = arith.ori %or3A_249, %eq3A_166 : i1
        %convert_element_type3A_251 = arith.extui %or3A_250 : i1 to i32
        %cond3A_252 = arith.constant 0 : i32
        %cond3A_253 = arith.cmpi ne, %convert_element_type3A_251, %cond3A_252 : i32
        scf.if %cond3A_253 {
          "tpu.trace_start"() <{level = 10 : i32, message = "ep_wait_in"}> : () -> ()
          %mul3A_401 = arith.constant 4 : i32
          %mul3A_402 = arith.muli %mul3A_401, %add3A_169 : i32
          %rem3A_403 = arith.constant 2 : i32
          %rem3A_404 = arith.remui %scan3A_161, %rem3A_403 : i32
          %dma_wait3A_405 = arith.constant 0 : i32
          %dma_wait3A_406 = arith.constant 0 : i32
          %dma_wait3A_407 = tpu.memref_slice %run_scoped3A_8[%rem3A_404, %dma_wait3A_405, %dma_wait3A_406] : memref<2x4x1024xf32, #tpu.memory_space<vmem>> -> memref<1x4x1024xf32, #tpu.memory_space<vmem>>
          %dma_wait3A_408 = tpu.memref_squeeze %dma_wait3A_407 : memref<1x4x1024xf32, #tpu.memory_space<vmem>> -> memref<4x1024xf32, #tpu.memory_space<vmem>>
          %dma_wait3A_409 = arith.constant 0 : i32
          %dma_wait3A_410 = tpu.memref_slice %arg3[%mul3A_402, %dma_wait3A_409] : memref<8192x1024xf32, #tpu.memory_space<hbm>> -> memref<4x1024xf32, #tpu.memory_space<hbm>>
          %dma_wait3A_411 = tpu.memref_slice %run_scoped3A_9[%rem3A_404] : memref<2x!tpu.dma_semaphore, #tpu.memory_space<semaphore_mem>> -> memref<1x!tpu.dma_semaphore, #tpu.memory_space<semaphore_mem>>
          %dma_wait3A_412 = tpu.memref_squeeze %dma_wait3A_411 : memref<1x!tpu.dma_semaphore, #tpu.memory_space<semaphore_mem>> -> memref<!tpu.dma_semaphore, #tpu.memory_space<semaphore_mem>>
          %dma_wait3A_413 = arith.constant 0 : i32
          %dma_wait3A_414 = arith.constant 0 : i32
          %dma_wait3A_415 = tpu.memref_slice %run_scoped3A_8[%rem3A_404, %dma_wait3A_413, %dma_wait3A_414] : memref<2x4x1024xf32, #tpu.memory_space<vmem>> -> memref<1x4x1024xf32, #tpu.memory_space<vmem>>
          %dma_wait3A_416 = tpu.memref_squeeze %dma_wait3A_415 : memref<1x4x1024xf32, #tpu.memory_space<vmem>> -> memref<4x1024xf32, #tpu.memory_space<vmem>>
          %dma_wait3A_417 = arith.constant 0 : i32
          %dma_wait3A_418 = tpu.memref_slice %arg3[%mul3A_402, %dma_wait3A_417] : memref<8192x1024xf32, #tpu.memory_space<hbm>> -> memref<4x1024xf32, #tpu.memory_space<hbm>>
          tpu.wait_dma2 semaphore(%dma_wait3A_412 : memref<!tpu.dma_semaphore, #tpu.memory_space<semaphore_mem>>) src(%dma_wait3A_418 : memref<4x1024xf32, #tpu.memory_space<hbm>>) dst(%dma_wait3A_416 : memref<4x1024xf32, #tpu.memory_space<vmem>>)
          "tpu.trace_stop"() : () -> ()
        } else {
        }
        %ne3A_254 = arith.cmpi ne, %add3A_169, %add3A_178 : i32
        %or3A_255 = arith.constant false
        %or3A_256 = arith.ori %or3A_255, %ne3A_254 : i1
        %or3A_257 = arith.constant false
        %or3A_258 = arith.ori %or3A_256, %or3A_257 : i1
        %or3A_259 = arith.ori %or3A_258, %eq3A_166 : i1
        %convert_element_type3A_260 = arith.extui %or3A_259 : i1 to i32
        %cond3A_261 = arith.constant 0 : i32
        %cond3A_262 = arith.cmpi ne, %convert_element_type3A_260, %cond3A_261 : i32
        scf.if %cond3A_262 {
        } else {
        }
        %rem3A_263 = arith.constant 2 : i32
        %rem3A_264 = arith.remui %scan3A_159, %rem3A_263 : i32
        %rem3A_265 = arith.constant 2 : i32
        %rem3A_266 = arith.remui %scan3A_161, %rem3A_265 : i32
        %rem3A_267 = arith.constant 2 : i32
        %rem3A_268 = arith.remui %scan3A_162, %rem3A_267 : i32
        "tpu.trace_start"() <{level = 10 : i32, message = "ep_run_kernel"}> : () -> ()
        %scan3A_269 = arith.constant 0 : i32
        %scan3A_270 = arith.constant 0 : i32
        %scan3A_271 = arith.constant 0 : i32
        %scan3A_272 = arith.constant 4 : i32
        %scan3A_273 = arith.addi %scan3A_271, %scan3A_272 : i32
        %scan3A_274 = arith.constant 1 : i32
        scf.for %scan3A_401 = %scan3A_271 to %scan3A_273 step %scan3A_274  : i32 {
          %mul3A_402 = arith.constant 1 : i32
          %mul3A_403 = arith.muli %scan3A_401, %mul3A_402 : i32
          %add3A_404 = arith.constant 0 : i32
          %add3A_405 = arith.addi %add3A_404, %mul3A_403 : i32
          %parallel_loop3A = arith.constant 0 : i32
          %parallel_loop3A_406 = arith.constant 1024 : i32
          %parallel_loop3A_407 = arith.constant 16 : i32
          scf.for %parallel_loop3A_408 = %parallel_loop3A to %parallel_loop3A_406 step %parallel_loop3A_407  : i32 {
            %parallel_loop3A_409 = arith.constant 0 : i32
            %parallel_loop3A_410 = arith.constant 0 : i32
            %parallel_loop3A_411 = arith.constant 0 : i32
            %parallel_loop3A_412 = tpu.memref_slice %run_scoped3A[%rem3A_264, %parallel_loop3A_409, %parallel_loop3A_410, %parallel_loop3A_411] : memref<2x4x4x1024xf32, #tpu.memory_space<vmem>> -> memref<1x4x4x1024xf32, #tpu.memory_space<vmem>>
            %parallel_loop3A_413 = tpu.memref_squeeze %parallel_loop3A_412 : memref<1x4x4x1024xf32, #tpu.memory_space<vmem>> -> memref<4x4x1024xf32, #tpu.memory_space<vmem>>
            %parallel_loop3A_414 = arith.constant 0 : i32
            %parallel_loop3A_415 = arith.constant 0 : i32
            %parallel_loop3A_416 = tpu.memref_slice %parallel_loop3A_413[%scan3A_269, %parallel_loop3A_414, %parallel_loop3A_415] : memref<4x4x1024xf32, #tpu.memory_space<vmem>> -> memref<1x4x1024xf32, #tpu.memory_space<vmem>>
            %parallel_loop3A_417 = tpu.memref_squeeze %parallel_loop3A_416 : memref<1x4x1024xf32, #tpu.memory_space<vmem>> -> memref<4x1024xf32, #tpu.memory_space<vmem>>
            %parallel_loop3A_418 = arith.index_cast %add3A_405 : i32 to index
            %parallel_loop3A_419 = arith.index_cast %parallel_loop3A_408 : i32 to index
            %parallel_loop3A_420 = tpu.vector_load %parallel_loop3A_417[%parallel_loop3A_418, %parallel_loop3A_419] {strides = array<i32>} : memref<4x1024xf32, #tpu.memory_space<vmem>>, vector<1x16xf32>,
            %parallel_loop3A_421 = vector.shape_cast %parallel_loop3A_420 : vector<1x16xf32> to vector<1x16xf32>
            %parallel_loop3A_422 = arith.constant 0 : i32
            %parallel_loop3A_423 = arith.constant 0 : i32
            %parallel_loop3A_424 = tpu.memref_slice %run_scoped3A_8[%rem3A_266, %parallel_loop3A_422, %parallel_loop3A_423] : memref<2x4x1024xf32, #tpu.memory_space<vmem>> -> memref<1x4x1024xf32, #tpu.memory_space<vmem>>
            %parallel_loop3A_425 = tpu.memref_squeeze %parallel_loop3A_424 : memref<1x4x1024xf32, #tpu.memory_space<vmem>> -> memref<4x1024xf32, #tpu.memory_space<vmem>>
            %parallel_loop3A_426 = arith.index_cast %add3A_405 : i32 to index
            %parallel_loop3A_427 = arith.index_cast %parallel_loop3A_408 : i32 to index
            %parallel_loop3A_428 = tpu.vector_load %parallel_loop3A_425[%parallel_loop3A_426, %parallel_loop3A_427] {strides = array<i32>} : memref<4x1024xf32, #tpu.memory_space<vmem>>, vector<1x16xf32>,
            %parallel_loop3A_429 = vector.shape_cast %parallel_loop3A_428 : vector<1x16xf32> to vector<1x16xf32>
            %parallel_loop3A_430 = arith.addf %parallel_loop3A_421, %parallel_loop3A_429 : vector<1x16xf32>
            %parallel_loop3A_431 = arith.constant 0 : i32
            %parallel_loop3A_432 = arith.constant 0 : i32
            %parallel_loop3A_433 = arith.constant 0 : i32
            %parallel_loop3A_434 = tpu.memref_slice %run_scoped3A_10[%rem3A_268, %parallel_loop3A_431, %parallel_loop3A_432, %parallel_loop3A_433] : memref<2x4x4x1024xf32, #tpu.memory_space<vmem>> -> memref<1x4x4x1024xf32, #tpu.memory_space<vmem>>
            %parallel_loop3A_435 = tpu.memref_squeeze %parallel_loop3A_434 : memref<1x4x4x1024xf32, #tpu.memory_space<vmem>> -> memref<4x4x1024xf32, #tpu.memory_space<vmem>>
            %parallel_loop3A_436 = arith.constant 0 : i32
            %parallel_loop3A_437 = arith.constant 0 : i32
            %parallel_loop3A_438 = tpu.memref_slice %parallel_loop3A_435[%scan3A_270, %parallel_loop3A_436, %parallel_loop3A_437] : memref<4x4x1024xf32, #tpu.memory_space<vmem>> -> memref<1x4x1024xf32, #tpu.memory_space<vmem>>
            %parallel_loop3A_439 = tpu.memref_squeeze %parallel_loop3A_438 : memref<1x4x1024xf32, #tpu.memory_space<vmem>> -> memref<4x1024xf32, #tpu.memory_space<vmem>>
            %parallel_loop3A_440 = arith.index_cast %add3A_405 : i32 to index
            %parallel_loop3A_441 = arith.index_cast %parallel_loop3A_408 : i32 to index
            %parallel_loop3A_442 = tpu.vector_load %parallel_loop3A_439[%parallel_loop3A_440, %parallel_loop3A_441] {strides = array<i32>} : memref<4x1024xf32, #tpu.memory_space<vmem>>, vector<1x16xf32>,
            %parallel_loop3A_443 = vector.shape_cast %parallel_loop3A_442 : vector<1x16xf32> to vector<1x16xf32>
            %parallel_loop3A_444 = vector.shape_cast %parallel_loop3A_430 : vector<1x16xf32> to vector<1x16xf32>
            tpu.vector_store %parallel_loop3A_439[%parallel_loop3A_440, %parallel_loop3A_441], %parallel_loop3A_444 {strides = array<i32>} : memref<4x1024xf32, #tpu.memory_space<vmem>>, vector<1x16xf32>,
          } {sc.loop_unroll_factor = 8 : i64, sc.parallel_access}
        }
        %scan3A_275 = arith.constant 4 : i32
        %scan3A_276 = arith.constant 1 : i32
        %scan3A_277 = arith.constant 1 : i32
        %scan3A_278 = arith.constant 0 : i32
        %scan3A_279 = arith.constant 4 : i32
        %scan3A_280 = arith.addi %scan3A_278, %scan3A_279 : i32
        %scan3A_281 = arith.constant 1 : i32
        scf.for %scan3A_401 = %scan3A_278 to %scan3A_280 step %scan3A_281  : i32 {
          %mul3A_402 = arith.constant 1 : i32
          %mul3A_403 = arith.muli %scan3A_401, %mul3A_402 : i32
          %add3A_404 = arith.constant 0 : i32
          %add3A_405 = arith.addi %add3A_404, %mul3A_403 : i32
          %parallel_loop3A = arith.constant 0 : i32
          %parallel_loop3A_406 = arith.constant 1024 : i32
          %parallel_loop3A_407 = arith.constant 16 : i32
          scf.for %parallel_loop3A_408 = %parallel_loop3A to %parallel_loop3A_406 step %parallel_loop3A_407  : i32 {
            %parallel_loop3A_409 = arith.constant 0 : i32
            %parallel_loop3A_410 = arith.constant 0 : i32
            %parallel_loop3A_411 = arith.constant 0 : i32
            %parallel_loop3A_412 = tpu.memref_slice %run_scoped3A[%rem3A_264, %parallel_loop3A_409, %parallel_loop3A_410, %parallel_loop3A_411] : memref<2x4x4x1024xf32, #tpu.memory_space<vmem>> -> memref<1x4x4x1024xf32, #tpu.memory_space<vmem>>
            %parallel_loop3A_413 = tpu.memref_squeeze %parallel_loop3A_412 : memref<1x4x4x1024xf32, #tpu.memory_space<vmem>> -> memref<4x4x1024xf32, #tpu.memory_space<vmem>>
            %parallel_loop3A_414 = arith.constant 0 : i32
            %parallel_loop3A_415 = arith.constant 0 : i32
            %parallel_loop3A_416 = tpu.memref_slice %parallel_loop3A_413[%scan3A_276, %parallel_loop3A_414, %parallel_loop3A_415] : memref<4x4x1024xf32, #tpu.memory_space<vmem>> -> memref<1x4x1024xf32, #tpu.memory_space<vmem>>
            %parallel_loop3A_417 = tpu.memref_squeeze %parallel_loop3A_416 : memref<1x4x1024xf32, #tpu.memory_space<vmem>> -> memref<4x1024xf32, #tpu.memory_space<vmem>>
            %parallel_loop3A_418 = arith.index_cast %add3A_405 : i32 to index
            %parallel_loop3A_419 = arith.index_cast %parallel_loop3A_408 : i32 to index
            %parallel_loop3A_420 = tpu.vector_load %parallel_loop3A_417[%parallel_loop3A_418, %parallel_loop3A_419] {strides = array<i32>} : memref<4x1024xf32, #tpu.memory_space<vmem>>, vector<1x16xf32>,
            %parallel_loop3A_421 = vector.shape_cast %parallel_loop3A_420 : vector<1x16xf32> to vector<1x16xf32>
            %parallel_loop3A_422 = arith.constant 0 : i32
            %parallel_loop3A_423 = arith.constant 0 : i32
            %parallel_loop3A_424 = tpu.memref_slice %run_scoped3A_8[%rem3A_266, %parallel_loop3A_422, %parallel_loop3A_423] : memref<2x4x1024xf32, #tpu.memory_space<vmem>> -> memref<1x4x1024xf32, #tpu.memory_space<vmem>>
            %parallel_loop3A_425 = tpu.memref_squeeze %parallel_loop3A_424 : memref<1x4x1024xf32, #tpu.memory_space<vmem>> -> memref<4x1024xf32, #tpu.memory_space<vmem>>
            %parallel_loop3A_426 = arith.index_cast %add3A_405 : i32 to index
            %parallel_loop3A_427 = arith.index_cast %parallel_loop3A_408 : i32 to index
            %parallel_loop3A_428 = tpu.vector_load %parallel_loop3A_425[%parallel_loop3A_426, %parallel_loop3A_427] {strides = array<i32>} : memref<4x1024xf32, #tpu.memory_space<vmem>>, vector<1x16xf32>,
            %parallel_loop3A_429 = vector.shape_cast %parallel_loop3A_428 : vector<1x16xf32> to vector<1x16xf32>
            %parallel_loop3A_430 = arith.addf %parallel_loop3A_421, %parallel_loop3A_429 : vector<1x16xf32>
            %parallel_loop3A_431 = arith.constant 0 : i32
            %parallel_loop3A_432 = arith.constant 0 : i32
            %parallel_loop3A_433 = arith.constant 0 : i32
            %parallel_loop3A_434 = tpu.memref_slice %run_scoped3A_10[%rem3A_268, %parallel_loop3A_431, %parallel_loop3A_432, %parallel_loop3A_433] : memref<2x4x4x1024xf32, #tpu.memory_space<vmem>> -> memref<1x4x4x1024xf32, #tpu.memory_space<vmem>>
            %parallel_loop3A_435 = tpu.memref_squeeze %parallel_loop3A_434 : memref<1x4x4x1024xf32, #tpu.memory_space<vmem>> -> memref<4x4x1024xf32, #tpu.memory_space<vmem>>
            %parallel_loop3A_436 = arith.constant 0 : i32
            %parallel_loop3A_437 = arith.constant 0 : i32
            %parallel_loop3A_438 = tpu.memref_slice %parallel_loop3A_435[%scan3A_277, %parallel_loop3A_436, %parallel_loop3A_437] : memref<4x4x1024xf32, #tpu.memory_space<vmem>> -> memref<1x4x1024xf32, #tpu.memory_space<vmem>>
            %parallel_loop3A_439 = tpu.memref_squeeze %parallel_loop3A_438 : memref<1x4x1024xf32, #tpu.memory_space<vmem>> -> memref<4x1024xf32, #tpu.memory_space<vmem>>
            %parallel_loop3A_440 = arith.index_cast %add3A_405 : i32 to index
            %parallel_loop3A_441 = arith.index_cast %parallel_loop3A_408 : i32 to index
            %parallel_loop3A_442 = tpu.vector_load %parallel_loop3A_439[%parallel_loop3A_440, %parallel_loop3A_441] {strides = array<i32>} : memref<4x1024xf32, #tpu.memory_space<vmem>>, vector<1x16xf32>,
            %parallel_loop3A_443 = vector.shape_cast %parallel_loop3A_442 : vector<1x16xf32> to vector<1x16xf32>
            %parallel_loop3A_444 = vector.shape_cast %parallel_loop3A_430 : vector<1x16xf32> to vector<1x16xf32>
            tpu.vector_store %parallel_loop3A_439[%parallel_loop3A_440, %parallel_loop3A_441], %parallel_loop3A_444 {strides = array<i32>} : memref<4x1024xf32, #tpu.memory_space<vmem>>, vector<1x16xf32>,
          } {sc.loop_unroll_factor = 8 : i64, sc.parallel_access}
        }
        %scan3A_282 = arith.constant 4 : i32
        %scan3A_283 = arith.constant 2 : i32
        %scan3A_284 = arith.constant 2 : i32
        %scan3A_285 = arith.constant 0 : i32
        %scan3A_286 = arith.constant 4 : i32
        %scan3A_287 = arith.addi %scan3A_285, %scan3A_286 : i32
        %scan3A_288 = arith.constant 1 : i32
        scf.for %scan3A_401 = %scan3A_285 to %scan3A_287 step %scan3A_288  : i32 {
          %mul3A_402 = arith.constant 1 : i32
          %mul3A_403 = arith.muli %scan3A_401, %mul3A_402 : i32
          %add3A_404 = arith.constant 0 : i32
          %add3A_405 = arith.addi %add3A_404, %mul3A_403 : i32
          %parallel_loop3A = arith.constant 0 : i32
          %parallel_loop3A_406 = arith.constant 1024 : i32
          %parallel_loop3A_407 = arith.constant 16 : i32
          scf.for %parallel_loop3A_408 = %parallel_loop3A to %parallel_loop3A_406 step %parallel_loop3A_407  : i32 {
            %parallel_loop3A_409 = arith.constant 0 : i32
            %parallel_loop3A_410 = arith.constant 0 : i32
            %parallel_loop3A_411 = arith.constant 0 : i32
            %parallel_loop3A_412 = tpu.memref_slice %run_scoped3A[%rem3A_264, %parallel_loop3A_409, %parallel_loop3A_410, %parallel_loop3A_411] : memref<2x4x4x1024xf32, #tpu.memory_space<vmem>> -> memref<1x4x4x1024xf32, #tpu.memory_space<vmem>>
            %parallel_loop3A_413 = tpu.memref_squeeze %parallel_loop3A_412 : memref<1x4x4x1024xf32, #tpu.memory_space<vmem>> -> memref<4x4x1024xf32, #tpu.memory_space<vmem>>
            %parallel_loop3A_414 = arith.constant 0 : i32
            %parallel_loop3A_415 = arith.constant 0 : i32
            %parallel_loop3A_416 = tpu.memref_slice %parallel_loop3A_413[%scan3A_283, %parallel_loop3A_414, %parallel_loop3A_415] : memref<4x4x1024xf32, #tpu.memory_space<vmem>> -> memref<1x4x1024xf32, #tpu.memory_space<vmem>>
            %parallel_loop3A_417 = tpu.memref_squeeze %parallel_loop3A_416 : memref<1x4x1024xf32, #tpu.memory_space<vmem>> -> memref<4x1024xf32, #tpu.memory_space<vmem>>
            %parallel_loop3A_418 = arith.index_cast %add3A_405 : i32 to index
            %parallel_loop3A_419 = arith.index_cast %parallel_loop3A_408 : i32 to index
            %parallel_loop3A_420 = tpu.vector_load %parallel_loop3A_417[%parallel_loop3A_418, %parallel_loop3A_419] {strides = array<i32>} : memref<4x1024xf32, #tpu.memory_space<vmem>>, vector<1x16xf32>,
            %parallel_loop3A_421 = vector.shape_cast %parallel_loop3A_420 : vector<1x16xf32> to vector<1x16xf32>
            %parallel_loop3A_422 = arith.constant 0 : i32
            %parallel_loop3A_423 = arith.constant 0 : i32
            %parallel_loop3A_424 = tpu.memref_slice %run_scoped3A_8[%rem3A_266, %parallel_loop3A_422, %parallel_loop3A_423] : memref<2x4x1024xf32, #tpu.memory_space<vmem>> -> memref<1x4x1024xf32, #tpu.memory_space<vmem>>
            %parallel_loop3A_425 = tpu.memref_squeeze %parallel_loop3A_424 : memref<1x4x1024xf32, #tpu.memory_space<vmem>> -> memref<4x1024xf32, #tpu.memory_space<vmem>>
            %parallel_loop3A_426 = arith.index_cast %add3A_405 : i32 to index
            %parallel_loop3A_427 = arith.index_cast %parallel_loop3A_408 : i32 to index
            %parallel_loop3A_428 = tpu.vector_load %parallel_loop3A_425[%parallel_loop3A_426, %parallel_loop3A_427] {strides = array<i32>} : memref<4x1024xf32, #tpu.memory_space<vmem>>, vector<1x16xf32>,
            %parallel_loop3A_429 = vector.shape_cast %parallel_loop3A_428 : vector<1x16xf32> to vector<1x16xf32>
            %parallel_loop3A_430 = arith.addf %parallel_loop3A_421, %parallel_loop3A_429 : vector<1x16xf32>
            %parallel_loop3A_431 = arith.constant 0 : i32
            %parallel_loop3A_432 = arith.constant 0 : i32
            %parallel_loop3A_433 = arith.constant 0 : i32
            %parallel_loop3A_434 = tpu.memref_slice %run_scoped3A_10[%rem3A_268, %parallel_loop3A_431, %parallel_loop3A_432, %parallel_loop3A_433] : memref<2x4x4x1024xf32, #tpu.memory_space<vmem>> -> memref<1x4x4x1024xf32, #tpu.memory_space<vmem>>
            %parallel_loop3A_435 = tpu.memref_squeeze %parallel_loop3A_434 : memref<1x4x4x1024xf32, #tpu.memory_space<vmem>> -> memref<4x4x1024xf32, #tpu.memory_space<vmem>>
            %parallel_loop3A_436 = arith.constant 0 : i32
            %parallel_loop3A_437 = arith.constant 0 : i32
            %parallel_loop3A_438 = tpu.memref_slice %parallel_loop3A_435[%scan3A_284, %parallel_loop3A_436, %parallel_loop3A_437] : memref<4x4x1024xf32, #tpu.memory_space<vmem>> -> memref<1x4x1024xf32, #tpu.memory_space<vmem>>
            %parallel_loop3A_439 = tpu.memref_squeeze %parallel_loop3A_438 : memref<1x4x1024xf32, #tpu.memory_space<vmem>> -> memref<4x1024xf32, #tpu.memory_space<vmem>>
            %parallel_loop3A_440 = arith.index_cast %add3A_405 : i32 to index
            %parallel_loop3A_441 = arith.index_cast %parallel_loop3A_408 : i32 to index
            %parallel_loop3A_442 = tpu.vector_load %parallel_loop3A_439[%parallel_loop3A_440, %parallel_loop3A_441] {strides = array<i32>} : memref<4x1024xf32, #tpu.memory_space<vmem>>, vector<1x16xf32>,
            %parallel_loop3A_443 = vector.shape_cast %parallel_loop3A_442 : vector<1x16xf32> to vector<1x16xf32>
            %parallel_loop3A_444 = vector.shape_cast %parallel_loop3A_430 : vector<1x16xf32> to vector<1x16xf32>
            tpu.vector_store %parallel_loop3A_439[%parallel_loop3A_440, %parallel_loop3A_441], %parallel_loop3A_444 {strides = array<i32>} : memref<4x1024xf32, #tpu.memory_space<vmem>>, vector<1x16xf32>,
          } {sc.loop_unroll_factor = 8 : i64, sc.parallel_access}
        }
        %scan3A_289 = arith.constant 4 : i32
        %scan3A_290 = arith.constant 3 : i32
        %scan3A_291 = arith.constant 3 : i32
        %scan3A_292 = arith.constant 0 : i32
        %scan3A_293 = arith.constant 4 : i32
        %scan3A_294 = arith.addi %scan3A_292, %scan3A_293 : i32
        %scan3A_295 = arith.constant 1 : i32
        scf.for %scan3A_401 = %scan3A_292 to %scan3A_294 step %scan3A_295  : i32 {
          %mul3A_402 = arith.constant 1 : i32
          %mul3A_403 = arith.muli %scan3A_401, %mul3A_402 : i32
          %add3A_404 = arith.constant 0 : i32
          %add3A_405 = arith.addi %add3A_404, %mul3A_403 : i32
          %parallel_loop3A = arith.constant 0 : i32
          %parallel_loop3A_406 = arith.constant 1024 : i32
          %parallel_loop3A_407 = arith.constant 16 : i32
          scf.for %parallel_loop3A_408 = %parallel_loop3A to %parallel_loop3A_406 step %parallel_loop3A_407  : i32 {
            %parallel_loop3A_409 = arith.constant 0 : i32
            %parallel_loop3A_410 = arith.constant 0 : i32
            %parallel_loop3A_411 = arith.constant 0 : i32
            %parallel_loop3A_412 = tpu.memref_slice %run_scoped3A[%rem3A_264, %parallel_loop3A_409, %parallel_loop3A_410, %parallel_loop3A_411] : memref<2x4x4x1024xf32, #tpu.memory_space<vmem>> -> memref<1x4x4x1024xf32, #tpu.memory_space<vmem>>
            %parallel_loop3A_413 = tpu.memref_squeeze %parallel_loop3A_412 : memref<1x4x4x1024xf32, #tpu.memory_space<vmem>> -> memref<4x4x1024xf32, #tpu.memory_space<vmem>>
            %parallel_loop3A_414 = arith.constant 0 : i32
            %parallel_loop3A_415 = arith.constant 0 : i32
            %parallel_loop3A_416 = tpu.memref_slice %parallel_loop3A_413[%scan3A_290, %parallel_loop3A_414, %parallel_loop3A_415] : memref<4x4x1024xf32, #tpu.memory_space<vmem>> -> memref<1x4x1024xf32, #tpu.memory_space<vmem>>
            %parallel_loop3A_417 = tpu.memref_squeeze %parallel_loop3A_416 : memref<1x4x1024xf32, #tpu.memory_space<vmem>> -> memref<4x1024xf32, #tpu.memory_space<vmem>>
            %parallel_loop3A_418 = arith.index_cast %add3A_405 : i32 to index
            %parallel_loop3A_419 = arith.index_cast %parallel_loop3A_408 : i32 to index
            %parallel_loop3A_420 = tpu.vector_load %parallel_loop3A_417[%parallel_loop3A_418, %parallel_loop3A_419] {strides = array<i32>} : memref<4x1024xf32, #tpu.memory_space<vmem>>, vector<1x16xf32>,
            %parallel_loop3A_421 = vector.shape_cast %parallel_loop3A_420 : vector<1x16xf32> to vector<1x16xf32>
            %parallel_loop3A_422 = arith.constant 0 : i32
            %parallel_loop3A_423 = arith.constant 0 : i32
            %parallel_loop3A_424 = tpu.memref_slice %run_scoped3A_8[%rem3A_266, %parallel_loop3A_422, %parallel_loop3A_423] : memref<2x4x1024xf32, #tpu.memory_space<vmem>> -> memref<1x4x1024xf32, #tpu.memory_space<vmem>>
            %parallel_loop3A_425 = tpu.memref_squeeze %parallel_loop3A_424 : memref<1x4x1024xf32, #tpu.memory_space<vmem>> -> memref<4x1024xf32, #tpu.memory_space<vmem>>
            %parallel_loop3A_426 = arith.index_cast %add3A_405 : i32 to index
            %parallel_loop3A_427 = arith.index_cast %parallel_loop3A_408 : i32 to index
            %parallel_loop3A_428 = tpu.vector_load %parallel_loop3A_425[%parallel_loop3A_426, %parallel_loop3A_427] {strides = array<i32>} : memref<4x1024xf32, #tpu.memory_space<vmem>>, vector<1x16xf32>,
            %parallel_loop3A_429 = vector.shape_cast %parallel_loop3A_428 : vector<1x16xf32> to vector<1x16xf32>
            %parallel_loop3A_430 = arith.addf %parallel_loop3A_421, %parallel_loop3A_429 : vector<1x16xf32>
            %parallel_loop3A_431 = arith.constant 0 : i32
            %parallel_loop3A_432 = arith.constant 0 : i32
            %parallel_loop3A_433 = arith.constant 0 : i32
            %parallel_loop3A_434 = tpu.memref_slice %run_scoped3A_10[%rem3A_268, %parallel_loop3A_431, %parallel_loop3A_432, %parallel_loop3A_433] : memref<2x4x4x1024xf32, #tpu.memory_space<vmem>> -> memref<1x4x4x1024xf32, #tpu.memory_space<vmem>>
            %parallel_loop3A_435 = tpu.memref_squeeze %parallel_loop3A_434 : memref<1x4x4x1024xf32, #tpu.memory_space<vmem>> -> memref<4x4x1024xf32, #tpu.memory_space<vmem>>
            %parallel_loop3A_436 = arith.constant 0 : i32
            %parallel_loop3A_437 = arith.constant 0 : i32
            %parallel_loop3A_438 = tpu.memref_slice %parallel_loop3A_435[%scan3A_291, %parallel_loop3A_436, %parallel_loop3A_437] : memref<4x4x1024xf32, #tpu.memory_space<vmem>> -> memref<1x4x1024xf32, #tpu.memory_space<vmem>>
            %parallel_loop3A_439 = tpu.memref_squeeze %parallel_loop3A_438 : memref<1x4x1024xf32, #tpu.memory_space<vmem>> -> memref<4x1024xf32, #tpu.memory_space<vmem>>
            %parallel_loop3A_440 = arith.index_cast %add3A_405 : i32 to index
            %parallel_loop3A_441 = arith.index_cast %parallel_loop3A_408 : i32 to index
            %parallel_loop3A_442 = tpu.vector_load %parallel_loop3A_439[%parallel_loop3A_440, %parallel_loop3A_441] {strides = array<i32>} : memref<4x1024xf32, #tpu.memory_space<vmem>>, vector<1x16xf32>,
            %parallel_loop3A_443 = vector.shape_cast %parallel_loop3A_442 : vector<1x16xf32> to vector<1x16xf32>
            %parallel_loop3A_444 = vector.shape_cast %parallel_loop3A_430 : vector<1x16xf32> to vector<1x16xf32>
            tpu.vector_store %parallel_loop3A_439[%parallel_loop3A_440, %parallel_loop3A_441], %parallel_loop3A_444 {strides = array<i32>} : memref<4x1024xf32, #tpu.memory_space<vmem>>, vector<1x16xf32>,
          } {sc.loop_unroll_factor = 8 : i64, sc.parallel_access}
        }
        %scan3A_296 = arith.constant 4 : i32
        "tpu.trace_stop"() : () -> ()
        %ne3A_297 = arith.cmpi ne, %add3A_169, %add3A_187 : i32
        %or3A_298 = arith.constant false
        %or3A_299 = arith.ori %or3A_298, %ne3A_297 : i1
        %or3A_300 = arith.constant false
        %or3A_301 = arith.ori %or3A_299, %or3A_300 : i1
        %or3A_302 = arith.ori %or3A_301, %eq3A_168 : i1
        %convert_element_type3A_303 = arith.extui %or3A_302 : i1 to i32
        %cond3A_304 = arith.constant 0 : i32
        %cond3A_305 = arith.cmpi ne, %convert_element_type3A_303, %cond3A_304 : i32
        scf.if %cond3A_305 {
        } else {
        }
        %and3A_306 = arith.constant false
        %and3A_307 = arith.andi %or3A_302, %and3A_306 : i1
        %ne3A_308 = arith.cmpi ne, %add3A_169, %add3A_187 : i32
        %or3A_309 = arith.constant false
        %or3A_310 = arith.ori %or3A_309, %ne3A_308 : i1
        %or3A_311 = arith.constant false
        %or3A_312 = arith.ori %or3A_310, %or3A_311 : i1
        %or3A_313 = arith.ori %or3A_312, %eq3A_168 : i1
        %convert_element_type3A_314 = arith.extui %or3A_313 : i1 to i32
        %cond3A_315 = arith.constant 0 : i32
        %cond3A_316 = arith.cmpi ne, %convert_element_type3A_314, %cond3A_315 : i32
        scf.if %cond3A_316 {
        } else {
        }
        %and3A_317 = arith.constant false
        %and3A_318 = arith.andi %or3A_313, %and3A_317 : i1
        %ne3A_319 = arith.cmpi ne, %add3A_169, %add3A_187 : i32
        %or3A_320 = arith.constant false
        %or3A_321 = arith.ori %or3A_320, %ne3A_319 : i1
        %or3A_322 = arith.constant false
        %or3A_323 = arith.ori %or3A_321, %or3A_322 : i1
        %or3A_324 = arith.ori %or3A_323, %eq3A_168 : i1
        %convert_element_type3A_325 = arith.extui %or3A_324 : i1 to i32
        %cond3A_326 = arith.constant 0 : i32
        %cond3A_327 = arith.cmpi ne, %convert_element_type3A_325, %cond3A_326 : i32
        scf.if %cond3A_327 {
          "tpu.trace_start"() <{level = 10 : i32, message = "ep_copy_out"}> : () -> ()
          %rem3A_401 = arith.constant 2 : i32
          %rem3A_402 = arith.remui %scan3A_162, %rem3A_401 : i32
          %mul3A_403 = arith.constant 4 : i32
          %mul3A_404 = arith.muli %mul3A_403, %add3A_169 : i32
          %dma_start3A_405 = arith.constant 0 : i32
          %dma_start3A_406 = arith.constant 0 : i32
          %dma_start3A_407 = arith.constant 0 : i32
          %dma_start3A_408 = tpu.memref_slice %run_scoped3A_10[%rem3A_402, %dma_start3A_405, %dma_start3A_406, %dma_start3A_407] : memref<2x4x4x1024xf32, #tpu.memory_space<vmem>> -> memref<1x4x4x1024xf32, #tpu.memory_space<vmem>>
          %dma_start3A_409 = tpu.memref_squeeze %dma_start3A_408 : memref<1x4x4x1024xf32, #tpu.memory_space<vmem>> -> memref<4x4x1024xf32, #tpu.memory_space<vmem>>
          %dma_start3A_410 = arith.constant 0 : i32
          %dma_start3A_411 = arith.constant 0 : i32
          %dma_start3A_412 = tpu.memref_slice %arg4[%dma_start3A_410, %mul3A_404, %dma_start3A_411] : memref<4x8192x1024xf32, #tpu.memory_space<hbm>> -> memref<4x4x1024xf32, #tpu.memory_space<hbm>>
          %dma_start3A_413 = tpu.memref_slice %run_scoped3A_11[%rem3A_402] : memref<2x!tpu.dma_semaphore, #tpu.memory_space<semaphore_mem>> -> memref<1x!tpu.dma_semaphore, #tpu.memory_space<semaphore_mem>>
          %dma_start3A_414 = tpu.memref_squeeze %dma_start3A_413 : memref<1x!tpu.dma_semaphore, #tpu.memory_space<semaphore_mem>> -> memref<!tpu.dma_semaphore, #tpu.memory_space<semaphore_mem>>
          %dma_start3A_415 = arith.constant 0 : i32
          %dma_start3A_416 = arith.constant 0 : i32
          %dma_start3A_417 = tpu.memref_slice %arg4[%dma_start3A_415, %mul3A_404, %dma_start3A_416] : memref<4x8192x1024xf32, #tpu.memory_space<hbm>> -> memref<4x4x1024xf32, #tpu.memory_space<hbm>>
          %dma_start3A_418 = arith.constant 0 : i32
          %dma_start3A_419 = arith.constant 0 : i32
          %dma_start3A_420 = arith.constant 0 : i32
          %dma_start3A_421 = tpu.memref_slice %run_scoped3A_10[%rem3A_402, %dma_start3A_418, %dma_start3A_419, %dma_start3A_420] : memref<2x4x4x1024xf32, #tpu.memory_space<vmem>> -> memref<1x4x4x1024xf32, #tpu.memory_space<vmem>>
          %dma_start3A_422 = tpu.memref_squeeze %dma_start3A_421 : memref<1x4x4x1024xf32, #tpu.memory_space<vmem>> -> memref<4x4x1024xf32, #tpu.memory_space<vmem>>
          tpu.enqueue_dma source(%dma_start3A_422 : memref<4x4x1024xf32, #tpu.memory_space<vmem>>) target(%dma_start3A_417 : memref<4x4x1024xf32, #tpu.memory_space<hbm>>) target_semaphore(%dma_start3A_414 : memref<!tpu.dma_semaphore, #tpu.memory_space<semaphore_mem>>)
          "tpu.trace_stop"() : () -> ()
        } else {
        }
        %and3A_328 = arith.constant true
        %and3A_329 = arith.andi %or3A_324, %and3A_328 : i1
        %add3A_330 = arith.constant 1 : i32
        %add3A_331 = arith.addi %scan3A_162, %add3A_330 : i32
        %select_n3A_332 = arith.select %and3A_329, %add3A_331, %scan3A_162 : i32
        %ne3A_333 = arith.cmpi ne, %add3A_169, %add3A_178 : i32
        %or3A_334 = arith.constant false
        %or3A_335 = arith.ori %or3A_334, %ne3A_333 : i1
        %or3A_336 = arith.constant false
        %or3A_337 = arith.ori %or3A_335, %or3A_336 : i1
        %not3A_338 = arith.constant true
        %not3A_339 = arith.xori %eq3A_166, %not3A_338 : i1
        %and3A_340 = arith.andi %or3A_337, %not3A_339 : i1
        %convert_element_type3A_341 = arith.extui %and3A_340 : i1 to i32
        %cond3A_342 = arith.constant 0 : i32
        %cond3A_343 = arith.cmpi ne, %convert_element_type3A_341, %cond3A_342 : i32
        scf.if %cond3A_343 {
        } else {
        }
        %and3A_344 = arith.constant false
        %and3A_345 = arith.andi %and3A_340, %and3A_344 : i1
        %ne3A_346 = arith.cmpi ne, %add3A_169, %add3A_178 : i32
        %or3A_347 = arith.constant false
        %or3A_348 = arith.ori %or3A_347, %ne3A_346 : i1
        %or3A_349 = arith.constant false
        %or3A_350 = arith.ori %or3A_348, %or3A_349 : i1
        %not3A_351 = arith.constant true
        %not3A_352 = arith.xori %eq3A_166, %not3A_351 : i1
        %and3A_353 = arith.andi %or3A_350, %not3A_352 : i1
        %convert_element_type3A_354 = arith.extui %and3A_353 : i1 to i32
        %cond3A_355 = arith.constant 0 : i32
        %cond3A_356 = arith.cmpi ne, %convert_element_type3A_354, %cond3A_355 : i32
        scf.if %cond3A_356 {
        } else {
        }
        %and3A_357 = arith.constant false
        %and3A_358 = arith.andi %and3A_353, %and3A_357 : i1
        %ne3A_359 = arith.cmpi ne, %add3A_169, %add3A_178 : i32
        %or3A_360 = arith.constant false
        %or3A_361 = arith.ori %or3A_360, %ne3A_359 : i1
        %or3A_362 = arith.constant false
        %or3A_363 = arith.ori %or3A_361, %or3A_362 : i1
        %not3A_364 = arith.constant true
        %not3A_365 = arith.xori %eq3A_166, %not3A_364 : i1
        %and3A_366 = arith.andi %or3A_363, %not3A_365 : i1
        %convert_element_type3A_367 = arith.extui %and3A_366 : i1 to i32
        %cond3A_368 = arith.constant 0 : i32
        %cond3A_369 = arith.cmpi ne, %convert_element_type3A_367, %cond3A_368 : i32
        scf.if %cond3A_369 {
          "tpu.trace_start"() <{level = 10 : i32, message = "ep_wait_out"}> : () -> ()
          %rem3A_401 = arith.constant 2 : i32
          %rem3A_402 = arith.remui %scan3A_163, %rem3A_401 : i32
          %mul3A_403 = arith.constant 4 : i32
          %mul3A_404 = arith.muli %mul3A_403, %add3A_178 : i32
          %dma_wait3A_405 = arith.constant 0 : i32
          %dma_wait3A_406 = arith.constant 0 : i32
          %dma_wait3A_407 = arith.constant 0 : i32
          %dma_wait3A_408 = tpu.memref_slice %run_scoped3A_10[%rem3A_402, %dma_wait3A_405, %dma_wait3A_406, %dma_wait3A_407] : memref<2x4x4x1024xf32, #tpu.memory_space<vmem>> -> memref<1x4x4x1024xf32, #tpu.memory_space<vmem>>
          %dma_wait3A_409 = tpu.memref_squeeze %dma_wait3A_408 : memref<1x4x4x1024xf32, #tpu.memory_space<vmem>> -> memref<4x4x1024xf32, #tpu.memory_space<vmem>>
          %dma_wait3A_410 = arith.constant 0 : i32
          %dma_wait3A_411 = arith.constant 0 : i32
          %dma_wait3A_412 = tpu.memref_slice %arg4[%dma_wait3A_410, %mul3A_404, %dma_wait3A_411] : memref<4x8192x1024xf32, #tpu.memory_space<hbm>> -> memref<4x4x1024xf32, #tpu.memory_space<hbm>>
          %dma_wait3A_413 = tpu.memref_slice %run_scoped3A_11[%rem3A_402] : memref<2x!tpu.dma_semaphore, #tpu.memory_space<semaphore_mem>> -> memref<1x!tpu.dma_semaphore, #tpu.memory_space<semaphore_mem>>
          %dma_wait3A_414 = tpu.memref_squeeze %dma_wait3A_413 : memref<1x!tpu.dma_semaphore, #tpu.memory_space<semaphore_mem>> -> memref<!tpu.dma_semaphore, #tpu.memory_space<semaphore_mem>>
          %dma_wait3A_415 = arith.constant 0 : i32
          %dma_wait3A_416 = arith.constant 0 : i32
          %dma_wait3A_417 = tpu.memref_slice %arg4[%dma_wait3A_415, %mul3A_404, %dma_wait3A_416] : memref<4x8192x1024xf32, #tpu.memory_space<hbm>> -> memref<4x4x1024xf32, #tpu.memory_space<hbm>>
          %dma_wait3A_418 = arith.constant 0 : i32
          %dma_wait3A_419 = arith.constant 0 : i32
          %dma_wait3A_420 = arith.constant 0 : i32
          %dma_wait3A_421 = tpu.memref_slice %run_scoped3A_10[%rem3A_402, %dma_wait3A_418, %dma_wait3A_419, %dma_wait3A_420] : memref<2x4x4x1024xf32, #tpu.memory_space<vmem>> -> memref<1x4x4x1024xf32, #tpu.memory_space<vmem>>
          %dma_wait3A_422 = tpu.memref_squeeze %dma_wait3A_421 : memref<1x4x4x1024xf32, #tpu.memory_space<vmem>> -> memref<4x4x1024xf32, #tpu.memory_space<vmem>>
          tpu.wait_dma2 semaphore(%dma_wait3A_414 : memref<!tpu.dma_semaphore, #tpu.memory_space<semaphore_mem>>) src(%dma_wait3A_422 : memref<4x4x1024xf32, #tpu.memory_space<vmem>>) dst(%dma_wait3A_417 : memref<4x4x1024xf32, #tpu.memory_space<hbm>>)
          "tpu.trace_stop"() : () -> ()
        } else {
        }
        %and3A_370 = arith.constant true
        %and3A_371 = arith.andi %and3A_366, %and3A_370 : i1
        %add3A_372 = arith.constant 1 : i32
        %add3A_373 = arith.addi %scan3A_163, %add3A_372 : i32
        %select_n3A_374 = arith.select %and3A_371, %add3A_373, %scan3A_163 : i32
        %ne3A_375 = arith.cmpi ne, %add3A_169, %add3A_187 : i32
        %or3A_376 = arith.constant false
        %or3A_377 = arith.ori %or3A_376, %ne3A_375 : i1
        %or3A_378 = arith.constant false
        %or3A_379 = arith.ori %or3A_377, %or3A_378 : i1
        %or3A_380 = arith.ori %or3A_379, %eq3A_168 : i1
        %add3A_381 = arith.constant 1 : i32
        %add3A_382 = arith.addi %scan3A_159, %add3A_381 : i32
        %select_n3A_383 = arith.select %or3A_380, %add3A_382, %scan3A_159 : i32
        %ne3A_384 = arith.cmpi ne, %add3A_169, %add3A_187 : i32
        %or3A_385 = arith.constant false
        %or3A_386 = arith.ori %or3A_385, %ne3A_384 : i1
        %or3A_387 = arith.constant false
        %or3A_388 = arith.ori %or3A_386, %or3A_387 : i1
        %or3A_389 = arith.ori %or3A_388, %eq3A_168 : i1
        %add3A_390 = arith.constant 1 : i32
        %add3A_391 = arith.addi %scan3A_161, %add3A_390 : i32
        %select_n3A_392 = arith.select %or3A_389, %add3A_391, %scan3A_161 : i32
        %add3A_393 = arith.constant 1 : i32
        %add3A_394 = arith.addi %scan3A_164, %add3A_393 : i32
        %select_n3A_395 = arith.constant true
        %select_n3A_396 = arith.select %select_n3A_395, %add3A_394, %scan3A_164 : i32
        %eq3A_397 = arith.constant 64 : i32
        %eq3A_398 = arith.cmpi eq, %select_n3A_396, %eq3A_397 : i32
        %select_n3A_399 = arith.constant 0 : i32
        %select_n3A_400 = arith.select %eq3A_398, %select_n3A_399, %select_n3A_396 : i32
        scf.yield %select_n3A_207, %select_n3A_383, %select_n3A_225, %select_n3A_392, %select_n3A_332, %select_n3A_374, %select_n3A_400 : i32, i32, i32, i32, i32, i32, i32
      }
      %scan3A_100 = arith.constant 64 : i32
      %sub3A = arith.constant 1 : i32
      %sub3A_101 = arith.subi %scan3A_99#6, %sub3A : i32
      %select_n3A_102 = arith.constant true
      %select_n3A_103 = arith.select %select_n3A_102, %sub3A_101, %scan3A_99#6 : i32
      %eq3A_104 = arith.constant -1 : i32
      %eq3A_105 = arith.cmpi eq, %select_n3A_103, %eq3A_104 : i32
      %select_n3A_106 = arith.constant 63 : i32
      %select_n3A_107 = arith.select %eq3A_105, %select_n3A_106, %select_n3A_103 : i32
      %add3A_108 = arith.addi %select_n3A_107, %mul3A_6 : i32
      %sub3A_109 = arith.constant 1 : i32
      %sub3A_110 = arith.subi %select_n3A_107, %sub3A_109 : i32
      %select_n3A_111 = arith.constant true
      %select_n3A_112 = arith.select %select_n3A_111, %sub3A_110, %select_n3A_107 : i32
      %eq3A_113 = arith.constant -1 : i32
      %eq3A_114 = arith.cmpi eq, %select_n3A_112, %eq3A_113 : i32
      %select_n3A_115 = arith.constant 63 : i32
      %select_n3A_116 = arith.select %eq3A_114, %select_n3A_115, %select_n3A_112 : i32
      %add3A_117 = arith.addi %select_n3A_116, %mul3A_6 : i32
      %add3A_118 = arith.constant 1 : i32
      %add3A_119 = arith.addi %select_n3A_107, %add3A_118 : i32
      %select_n3A_120 = arith.constant true
      %select_n3A_121 = arith.select %select_n3A_120, %add3A_119, %select_n3A_107 : i32
      %eq3A_122 = arith.constant 64 : i32
      %eq3A_123 = arith.cmpi eq, %select_n3A_121, %eq3A_122 : i32
      %select_n3A_124 = arith.constant 0 : i32
      %select_n3A_125 = arith.select %eq3A_123, %select_n3A_124, %select_n3A_121 : i32
      %add3A_126 = arith.addi %select_n3A_125, %mul3A_6 : i32
      %add3A_127 = arith.constant 1 : i32
      %add3A_128 = arith.addi %select_n3A_125, %add3A_127 : i32
      %select_n3A_129 = arith.constant true
      %select_n3A_130 = arith.select %select_n3A_129, %add3A_128, %select_n3A_125 : i32
      %eq3A_131 = arith.constant 64 : i32
      %eq3A_132 = arith.cmpi eq, %select_n3A_130, %eq3A_131 : i32
      %select_n3A_133 = arith.constant 0 : i32
      %select_n3A_134 = arith.select %eq3A_132, %select_n3A_133, %select_n3A_130 : i32
      %add3A_135 = arith.addi %select_n3A_134, %mul3A_6 : i32
      "tpu.trace_start"() <{level = 10 : i32, message = "ep_finalize"}> : () -> ()
      %rem3A_136 = arith.constant 2 : i32
      %rem3A_137 = arith.remui %scan3A_99#5, %rem3A_136 : i32
      %mul3A_138 = arith.constant 4 : i32
      %mul3A_139 = arith.muli %mul3A_138, %add3A_108 : i32
      %dma_wait3A = arith.constant 0 : i32
      %dma_wait3A_140 = arith.constant 0 : i32
      %dma_wait3A_141 = arith.constant 0 : i32
      %dma_wait3A_142 = tpu.memref_slice %run_scoped3A_10[%rem3A_137, %dma_wait3A, %dma_wait3A_140, %dma_wait3A_141] : memref<2x4x4x1024xf32, #tpu.memory_space<vmem>> -> memref<1x4x4x1024xf32, #tpu.memory_space<vmem>>
      %dma_wait3A_143 = tpu.memref_squeeze %dma_wait3A_142 : memref<1x4x4x1024xf32, #tpu.memory_space<vmem>> -> memref<4x4x1024xf32, #tpu.memory_space<vmem>>
      %dma_wait3A_144 = arith.constant 0 : i32
      %dma_wait3A_145 = arith.constant 0 : i32
      %dma_wait3A_146 = tpu.memref_slice %arg4[%dma_wait3A_144, %mul3A_139, %dma_wait3A_145] : memref<4x8192x1024xf32, #tpu.memory_space<hbm>> -> memref<4x4x1024xf32, #tpu.memory_space<hbm>>
      %dma_wait3A_147 = tpu.memref_slice %run_scoped3A_11[%rem3A_137] : memref<2x!tpu.dma_semaphore, #tpu.memory_space<semaphore_mem>> -> memref<1x!tpu.dma_semaphore, #tpu.memory_space<semaphore_mem>>
      %dma_wait3A_148 = tpu.memref_squeeze %dma_wait3A_147 : memref<1x!tpu.dma_semaphore, #tpu.memory_space<semaphore_mem>> -> memref<!tpu.dma_semaphore, #tpu.memory_space<semaphore_mem>>
      %dma_wait3A_149 = arith.constant 0 : i32
      %dma_wait3A_150 = arith.constant 0 : i32
      %dma_wait3A_151 = tpu.memref_slice %arg4[%dma_wait3A_149, %mul3A_139, %dma_wait3A_150] : memref<4x8192x1024xf32, #tpu.memory_space<hbm>> -> memref<4x4x1024xf32, #tpu.memory_space<hbm>>
      %dma_wait3A_152 = arith.constant 0 : i32
      %dma_wait3A_153 = arith.constant 0 : i32
      %dma_wait3A_154 = arith.constant 0 : i32
      %dma_wait3A_155 = tpu.memref_slice %run_scoped3A_10[%rem3A_137, %dma_wait3A_152, %dma_wait3A_153, %dma_wait3A_154] : memref<2x4x4x1024xf32, #tpu.memory_space<vmem>> -> memref<1x4x4x1024xf32, #tpu.memory_space<vmem>>
      %dma_wait3A_156 = tpu.memref_squeeze %dma_wait3A_155 : memref<1x4x4x1024xf32, #tpu.memory_space<vmem>> -> memref<4x4x1024xf32, #tpu.memory_space<vmem>>
      tpu.wait_dma2 semaphore(%dma_wait3A_148 : memref<!tpu.dma_semaphore, #tpu.memory_space<semaphore_mem>>) src(%dma_wait3A_156 : memref<4x4x1024xf32, #tpu.memory_space<vmem>>) dst(%dma_wait3A_151 : memref<4x4x1024xf32, #tpu.memory_space<hbm>>)
      "tpu.trace_stop"() : () -> ()
      tpu.yield
    }) : () -> ()
    return
  }
}

</mosaic_0001>

<sc_bundles>
// kernel: kernel.3.cloned.1.call-start
scs
__scs_entry_jumppad:
0x0: {  	(pc) =	sbr.rel $0x88, $3  }
0x1: {  	(tag) =	ssettag $0x0;
	lr =	simm.s32 $0x1  }
0x2: {  	[smem:$0x3F9F] =	sst lr;
	_ =	strace $0xD0000000  }
0x3: {  	_ = 	snop  }
0x4: {  	_ = 	snop  }
0x5: {  	_ = 	snop  }
0x6: {  	_ = 	snop  }
0x7: {  	_ = 	snop  }
__scs_overlays_trampoline_lowered:
0x8: {  	[smem:$0x3FAE] =	sst s0  }
0x9: {  	[smem:$0x3FAF] =	sst s1  }
0xa: {  	[smem:$0x3FB0] =	sst s2  }
0xb: {  	[smem:$0x3FB1] =	sst s3  }
0xc: {  	[smem:$0x3FB2] =	sst s4  }
0xd: {  	[smem:$0x3FB3] =	sst s5  }
0xe: {  	[smem:$0x3FB4] =	sst s6  }
0xf: {  	[smem:$0x3FB5] =	sst s7  }
0x10: {  	[smem:$0x3FB6] =	sst s8  }
0x11: {  	[smem:$0x3FB7] =	sst s9;
	s0 =	simm.s32 @!p0 $0x0  }
0x12: {  	s1 =	sld [smem:$0x3F9D];
	s0 =	simm.s32 @p0 $0x1  }
0x13: {  	[smem:$0x3FB8] =	sst s0;
	s0 =	simm.s32 @!p1 $0x0  }
0x14: {  	s2 =	sld [smem:$0x3F9C];
	s0 =	simm.s32 @p1 $0x1  }
0x15: {  	[smem:$0x3FB9] =	sst s0;
	s0 =	simm.s32 @!p2 $0x0  }
0x16: {  	s3 =	sld [smem:$0x3FDB];
	s0 =	simm.s32 @p2 $0x1  }
0x17: {  	s4 =	simm.s32 $0x1BF5;
	[smem:$0x3FBB] =	sst s0  }
0x18: {  	s0 =	sld [smem:$0x3F9E];
	_ =	swait.ge [sflag:s4], $0x0  }
0x19: {  	s7 =	sld [smem:$0x3F9F]  }
0x1a: {  	s8 =	sadd.s32 $0xFFFFE003, lr  }
0x1b: {  	s9 =	sadd.s32 $0xFFFFFEF7, lr;
	s5 =	simm.s32 $0xFFFFFFFF;
	p2 =	slt.u32 s8, $0xFFFFF086  }
0x1c: {  	p1 =	slt.u32 s9, $0xF7A;
	s5 =	simm.s32 @!p2 $0x0  }
0x1d: {  	s5 =	simm.s32 @p1 $0x1;
	p0 =	seq.s32 s7, s2  }
0x1e: {  	s7 =	smul.u32 @!p0 $0xF7A, s2;
	p2 =	seq.s32 @!p0 s5, $0x0  }
0x1f: {  	s9 =	smul.u32 $0xF7A, s1;
	s8 =	simm.s32 @!p0 $0x1BF5;
	p2 =	por !p2, p0  }
0x20: {  	[sflag:s8] =	ssyncset.s32 @!p0 $0xFFFFF086;
	s6 =	sadd.s32 @!p0 s3, s7;
	s7 =	simm.s32 @!p0 $0x108  }
0x21: {  	s3 =	sadd.s32 s3, s9;
	s6 =	sadd.s32 @!p0 $0x88, s6;
	s7 =	simm.s32 @p2 $0x1082  }
0x22: {  	[simem:s7], [sflag:s8] =	dma.local @!p0 [hbm:s6], $0xF7A  }
0x23: {  	s9 =	sor.u32 $0xD0000000, s2;
	s6 =	simm.s32 $0x108;
	_ =	swait.ge @!p0 [sflag:s8], $0x0  }
0x24: {  	s3 =	sadd.s32 $0x88, s3;
	s6 =	simm.s32 @!p1 $0x1082;
	[sflag:s4] =	ssyncset.s32 $0xFFFFF086  }
0x25: {  	[simem:s6], [sflag:s4] =	dma.local [hbm:s3], $0xF7A  }
0x26: {  	[smem:$0x3F9F] =	sst s1;
	(tag) =	ssettag s2;
	_ =	strace s9  }
0x27: {  	s1 =	sld [smem:$0x3FAF]  }
0x28: {  	s2 =	sld [smem:$0x3FB0]  }
0x29: {  	s4 =	sld [smem:$0x3FB2]  }
0x2a: {  	p0 =	seq.s32 s5, $0x0;
	s5 =	sld [smem:$0x3FB3]  }
0x2b: {  	s6 =	sld [smem:$0x3FB4]  }
0x2c: {  	s7 =	sld [smem:$0x3FB5]  }
0x2d: {  	s3 =	simm.s32 $0x108;
	s8 =	sld [smem:$0x3FB6]  }
0x2e: {  	s3 =	simm.s32 @!p0 $0x1082;
	s9 =	sld [smem:$0x3FB7]  }
0x2f: {  	lr =	sadd.s32 s0, s3;
	s0 =	sld [smem:$0x3FAE]  }
0x30: {  	s3 =	sld [smem:$0x3FB1]  }
0x31: {  	[smem:$0x3FBA] =	sst s10  }
0x32: {  	s10 =	sld [smem:$0x3FB8];
	_ =	sdelay $0x3  }
0x33: {  	p0 =	seq.s32 s10, $0x1;
	s10 =	sld [smem:$0x3FBA];
	_ =	sdelay $0x3  }
0x34: {  	[smem:$0x3FBA] =	sst s10  }
0x35: {  	s10 =	sld [smem:$0x3FB9];
	_ =	sdelay $0x3  }
0x36: {  	p1 =	seq.s32 s10, $0x1;
	s10 =	sld [smem:$0x3FBA];
	_ =	sdelay $0x3  }
0x37: {  	[smem:$0x3FBA] =	sst s10  }
0x38: {  	s10 =	sld [smem:$0x3FBB]  }
0x39: {  	_ = 	snop;
	(pc) =	sbr.ind lr, $3  }
0x3a: {  	_ = 	snop  }
0x3b: {  	_ = 	snop  }
0x3c: {  	p2 =	seq.s32 s10, $0x1;
	s10 =	sld [smem:$0x3FBA]  }
0x3d: {  	_ =	shalt  }
0x3e: {  	_ =	shalt  }
0x3f: {  	_ =	shalt  }
0x40: {  	_ =	shalt  }
0x41: {  	_ =	shalt  }
0x42: {  	_ =	shalt  }
0x43: {  	_ =	shalt  }
0x44: {  	_ =	shalt  }
0x45: {  	_ =	shalt  }
0x46: {  	_ =	shalt  }
0x47: {  	_ =	shalt  }
0x48: {  	_ =	shalt  }
0x49: {  	_ =	shalt  }
0x4a: {  	_ =	shalt  }
0x4b: {  	_ =	shalt  }
0x4c: {  	_ =	shalt  }
0x4d: {  	_ =	shalt  }
0x4e: {  	_ =	shalt  }
0x4f: {  	_ =	shalt  }
0x50: {  	_ =	shalt  }
0x51: {  	_ =	shalt  }
0x52: {  	_ =	shalt  }
0x53: {  	_ =	shalt  }
0x54: {  	_ =	shalt  }
0x55: {  	_ =	shalt  }
0x56: {  	_ =	shalt  }
0x57: {  	_ =	shalt  }
0x58: {  	_ =	shalt  }
0x59: {  	_ =	shalt  }
0x5a: {  	_ =	shalt  }
0x5b: {  	_ =	shalt  }
0x5c: {  	_ =	shalt  }
0x5d: {  	_ =	shalt  }
0x5e: {  	_ =	shalt  }
0x5f: {  	_ =	shalt  }
0x60: {  	_ =	shalt  }
0x61: {  	_ =	shalt  }
0x62: {  	_ =	shalt  }
0x63: {  	_ =	shalt  }
0x64: {  	_ =	shalt  }
0x65: {  	_ =	shalt  }
0x66: {  	_ =	shalt  }
0x67: {  	_ =	shalt  }
0x68: {  	_ =	shalt  }
0x69: {  	_ =	shalt  }
0x6a: {  	_ =	shalt  }
0x6b: {  	_ =	shalt  }
0x6c: {  	_ =	shalt  }
0x6d: {  	_ =	shalt  }
0x6e: {  	_ =	shalt  }
0x6f: {  	_ =	shalt  }
0x70: {  	_ =	shalt  }
0x71: {  	_ =	shalt  }
0x72: {  	_ =	shalt  }
0x73: {  	_ =	shalt  }
0x74: {  	_ =	shalt  }
0x75: {  	_ =	shalt  }
0x76: {  	_ =	shalt  }
0x77: {  	_ =	shalt  }
0x78: {  	_ =	shalt  }
0x79: {  	_ =	shalt  }
0x7a: {  	_ =	shalt  }
0x7b: {  	_ =	shalt  }
0x7c: {  	_ =	shalt  }
0x7d: {  	_ =	shalt  }
0x7e: {  	_ =	shalt  }
0x7f: {  	_ =	shalt  }
0x80: {  	_ =	shalt  }
0x81: {  	_ =	shalt  }
0x82: {  	_ =	shalt  }
0x83: {  	_ =	shalt  }
0x84: {  	_ =	shalt  }
0x85: {  	_ =	shalt  }
0x86: {  	_ =	shalt  }
0x87: {  	_ =	shalt  }
.Lfunc_end0:
.L_simem_size_0:
called_computation_lowered:
.L_overlay_start_0:
0x88: {  	s2 =	sld [smem:$0x3FD9]  }
0x89: {  	s3 =	sld [smem:$0x3FFE];
	_ =	sdelay $0x1  }
0x8a: {  	s1 =	srdreg.scid  }
0x8b: {  	s0 =	sand.u32 $0x1, s1  }
0x8c: {  	s18 =	sshll.u32 s0, $0xA;
	s2 =	sadd.s32 s3, s2  }
0x8d: {  	s2 =	sadd.s32 s2, s18  }
0x8e: {  	[smem:$0x3FC6] =	sst s2  }
0x8f: {  	_ = 	snop  }
0x90: {  	s2 =	sld [smem:$0x3FC9]  }
0x91: {  	s19 =	sld [smem:$0x3FC8]  }
0x92: {  	s4 =	sld [smem:$0x3FD0];
	(tm) =	ssettm $0x1  }
0x93: {  	s5 =	sld [smem:$0x3FFB];
	_ =	sdelay $0x3  }
0x94: {  	_ =	strace s5  }
0x95: {  	s5 =	sld [smem:$0x3FFC];
	_ =	sdelay $0x3  }
0x96: {  	_ =	strace s5  }
0x97: {  	s5 =	sld [smem:$0x3FFD];
	_ =	sdelay $0x3  }
0x98: {  	_ =	strace s5  }
0x99: {  	_ =	strace $0x8FFFFFFF  }
0x9a: {  	s20 =	sld [smem:$0x3FDB];
	_ =	sdelay $0x1  }
0x9b: {  	s6 =	simm.s32 $_scs_section_size  }
0x9c: {  	s7 =	simm.s32 $_size__tile_overlayer_lowered;
	s8 =	simm.s32 $_tile_overlayer_lowered  }
0x9d: {  	s23 =	simm.s32 $0x1BFF;
	s22 =	sshll.u32 s8, $0x1;
	s5 =	sadd.s32 s6, s20  }
0x9e: {  	s9 =	simm.s32 $0x0;
	s21 =	sshll.u32 s7, $0x1;
	s7 =	sadd.s32 s22, s5  }
0x9f: {  	[timem:s9], [sflag:s23] =	dma.local [hbm:s7], s21  }
0xa0: {  	_ =	swait.ge [sflag:s23], s21  }
0xa1: {  	s6 =	ssub.s32 $0x0, s21;
	[sflag:s23] =	ssyncset.done $0x0  }
0xa2: {  	[sflag:s23] =	ssyncadd.s32 s6;
	_ =	sdelay $0x1  }
0xa3: {  	s24 =	simm.s32 $0x1B8B  }
0xa4: {  	_ =	swait.ge [sflag:s24], $0x1  }
0xa5: {  	[sflag:s24] =	ssyncset.done $0x0  }
0xa6: {  	s25 =	simm.s32 $0x1B8E;
	[sflag:s24] =	ssyncadd.s32 $0xFFFFFFFF  }
0xa7: {  	s26 =	simm.s32 $execute0_lowered;
	[smem:$0x3FD2] =	sst s25  }
0xa8: {  	s6 =	sshll.u32 s26, $0x1;
	_ =	strace $0x80000046;
	[dreg:$0x1] =	wrdreg $0xFFFFFFFF  }
0xa9: {  	s28 =	simm.s32 $_size_execute0_lowered;
	s5 =	sadd.s32 s5, s6;
	[dreg:$0x0] =	wrdreg $0x0  }
0xaa: {  	s6 =	sshll.u32 s28, $0x1;
	[dreg:$0x2] =	wrdreg s5  }
0xab: {  	[dreg:$0x3] =	wrdreg s6  }
0xac: {  	[dreg:$0x4] =	wrdreg $0xC0  }
0xad: {  	_ =	task [dreg:s9], $0x5FFFF  }
0xae: {  	[dreg:$0x1] =	wrdreg $0xFFFFFFFF  }
0xaf: {  	[dreg:$0x0] =	wrdreg $0x60  }
0xb0: {  	[dreg:$0x2] =	wrdreg s2  }
0xb1: {  	[dreg:$0x3] =	wrdreg s19  }
0xb2: {  	[dreg:$0x4] =	wrdreg s4  }
0xb3: {  	[dreg:$0x5] =	wrdreg $0x9  }
0xb4: {  	_ =	task.clear_ibuf [dreg:s9], $0x6FFFF;
	_ =	strace $0x90000046  }
0xb5: {  	s29 =	simm.s32 $0x9;
	_ =	strace $0x80000051  }
0xb6: {  	_ =	swait.ge [sflag:s29], $0x1  }
0xb7: {  	[sflag:s29] =	ssyncadd.s32 $0xFFFFFFFF  }
0xb8: {  	_ =	strace $0x90000051  }
0xb9: {  	_ =	sfence  }
0xba: {  	s30 =	sld [smem:$0x0];
	_ =	sdelay $0x2  }
0xbb: {  	s31 =	sshll.u32 s1, $0xD;
	s1 =	sshrl.u32 s1, $0x2  }
0xbc: {  	s3 =	sand.u32 $0x4000, s31;
	s1 =	sadd.s32 s1, s30  }
0xbd: {  	s0 =	sor.u32 s3, s0;
	s1 =	sshll.u32 s1, $0x11  }
0xbe: {  	s0 =	sor.u32 s1, s0  }
0xbf: {  	s0 =	sadd.s32 $0x8F2B, s0  }
0xc0: {  	[sflag:s0] =	ssyncadd.remote.s32 $0x1  }
0xc1: {  	_ =	sfence.sel $0xFFFF  }
0xc2: {  	[dreg:$0x0] =	wrdreg $0xFFFFFFFF;
	(pc) =	sbr.abs _section_cstart, $3  }
0xc3: {  	[dreg:$0x1] =	wrdreg $0xFFFFFFFF  }
0xc4: {  	_ =	task.clear_ibuf [dreg:s9], $0x2FFFF;
	_ =	strace $0x9FFFFFFF  }
0xc5: {  	(tm) =	ssettm $0x7FFFFFFF  }
tec
execute0_lowered:
.L_overlay_start_1:
0x0: {  	(tag) =	ssettag $0x1  }
0x1: {  	s1 =	rddreg [dreg:$0x0];
	s0 =	srdreg.scid  }
0x2: {  	s2 =	rddreg [dreg:$0x1];
	s0 =	sand.u32 $0x1, s0  }
0x3: {  	s6 =	stileid.u32;
	s4 =	ssub.s32 $0x2, s0;
	s0 =	sshll.u32 s0, $0x4  }
0x4: {  	s3 =	rddreg [dreg:$0x2];
	s0 =	sor.u32 s6, s0  }
0x5: {  	s5 =	simm.s32 $0x0;
	s26 =	sshrl.u32 s4, $0x1;
	s28 =	sshll.u32 s0, $0xF  }
0x6: {  	[smem:$0x7FF] =	sst s5;
	s4 =	ssub.s32 s4, s26;
	s5 =	sadd.s32 s2, s28  }
0x7: {  	_ =	strace $0x80000047;
	s4 =	smax.u32 s4, $0x1;
	[dreg:$0x5] =	wrdreg s5  }
0x8: {  	s29 =	sadd.s32 s1, s28;
	[dreg:$0x6] =	wrdreg s4  }
0x9: {  	s30 =	sadd.s32 $0x100000, s29;
	[dreg:$0x4] =	wrdreg s29  }
0xa: {  	s31 =	sadd.s32 $0x200000, s29;
	[dreg:$0x7] =	wrdreg s30  }
0xb: {  	s6 =	sshll.u32 s0, $0x6;
	s0 =	sadd.s32 $0x300000, s29;
	[dreg:$0x8] =	wrdreg s31  }
0xc: {  	s20 =	simm.s32 $0x0;
	[dreg:$0x9] =	wrdreg s0  }
.LBB2_1:
0xd: {  	_ =	strace $0x80000048  }
0xe: {  	s0 =	simm.s32 $0x0;
	s5 =	simm.s32 $0x200;
	s4 =	rddreg [dreg:$0x4]  }
0xf: {  	s7 =	simm.s32 $0x400;
	s22 =	simm.s32 $0x1000;
	s21 =	rddreg [dreg:$0x7]  }
0x10: {  	[tilespmem:s0], [sflag:$0x1] =	stream.strided.gather [hbm4b:s4+s5], $0x1000, s7, s5, $0x200038;
	[tilespmem:$0x12000] =	vst v63  }
0x11: {  	s24 =	simm.s32 $0x2000;
	s26 =	simm.s32 $0x3000;
	s23 =	rddreg [dreg:$0x8]  }
0x12: {  	[tilespmem:s22], [sflag:$0x1] =	stream.strided.gather [hbm4b:s21+s5], $0x1000, s7, s5, $0x200038;
	[tilespmem:$0x12000] =	vst v63  }
0x13: {  	s31 =	simm.s32 $0x8000;
	s30 =	simm.s32 $0x0;
	s25 =	rddreg [dreg:$0x9]  }
0x14: {  	[tilespmem:s24], [sflag:$0x1] =	stream.strided.gather [hbm4b:s23+s5], $0x1000, s7, s5, $0x200038;
	[tilespmem:$0x12000] =	vst v63  }
0x15: {  	s28 =	simm.s32 $0x0;
	s29 =	rddreg [dreg:$0x5];
	s21 =	simm.s32 $0x0  }
0x16: {  	[tilespmem:s26], [sflag:$0x1] =	stream.strided.gather [hbm4b:s25+s5], $0x1000, s7, s5, $0x200038;
	[tilespmem:$0x12000] =	vst v63  }
0x17: {  	s22 =	simm.s32 $0x0;
	s23 =	simm.s32 $0x0;
	s24 =	simm.s32 $0x1  }
0x18: {  	[tilespmem:s31], [sflag:$0x3] =	stream.strided.gather [hbm4b:s29+s5], $0x1000, s7, s5, $0x200038;
	[tilespmem:$0x12000] =	vst v63  }
0x19: {  	s25 =	simm.s32 $0x0;
	s26 =	simm.s32 $0x1;
	_ =	strace $0x90000048  }
.LBB2_2:
0x1a: {  	s29 =	sadd.s32 $0x1, s30  }
0x1b: {  	p0 =	seq.s32 s29, $0x40  }
0x1c: {  	s29 =	simm.s32 @p0 $0x0;
	p0 =	seq.s32 s28, $0x3F  }
0x1d: {  	p1 =	seq.s32 @!p0 s30, s29  }
0x1e: {  	p2 =	por p1, p0  }
0x1f: {  	s0 =	sadd.s32 @!p2 s6, s29  }
0x20: {  	s4 =	sshll.u32 @!p2 s29, $0x9;
	s0 =	sshll.u32 @!p2 s0, $0xC  }
0x21: {  	s4 =	sand.u32 @!p2 $0x200, s4;
	s0 =	sand.u32 @!p2 $0xFFFFE000, s0  }
0x22: {  	_ =	strace @!p2 $0x80000049;
	s7 =	sand.u32 @!p2 $0x1, s26;
	s0 =	sor.u32 @!p2 s4, s0  }
0x23: {  	s9 =	simm.s32 @!p2 $0x200;
	s10 =	simm.s32 @!p2 $0x400;
	s0 =	sshrl.u32 @!p2 s0, $0x3  }
0x24: {  	s4 =	sadd.s32 @!p2 $0x1, s7;
	s7 =	sshll.u32 @!p2 s7, $0xE;
	s8 =	sadd.s32 @!p2 s1, s0  }
0x25: {  	[tilespmem:s7], [sflag:s4] =	stream.strided.gather @!p2 [hbm4b:s8+s9], $0x1000, s10, s9, $0x200038;
	[tilespmem:$0x12000] =	vst v63  }
0x26: {  	s12 =	sor.u32 @!p2 $0x1000, s7;
	s11 =	sadd.s32 @!p2 $0x100000, s8  }
0x27: {  	[tilespmem:s12], [sflag:s4] =	stream.strided.gather @!p2 [hbm4b:s11+s9], $0x1000, s10, s9, $0x200038;
	[tilespmem:$0x12000] =	vst v63  }
0x28: {  	s11 =	sadd.s32 @!p2 $0x200000, s8;
	s12 =	sor.u32 @!p2 $0x2000, s7  }
0x29: {  	[tilespmem:s12], [sflag:s4] =	stream.strided.gather @!p2 [hbm4b:s11+s9], $0x1000, s10, s9, $0x200038;
	[tilespmem:$0x12000] =	vst v63  }
0x2a: {  	s8 =	sadd.s32 @!p2 $0x300000, s8;
	s7 =	sor.u32 @!p2 $0x3000, s7  }
0x2b: {  	[tilespmem:s7], [sflag:s4] =	stream.strided.gather @!p2 [hbm4b:s8+s9], $0x1000, s10, s9, $0x200038;
	[tilespmem:$0x12000] =	vst v63  }
0x2c: {  	s5 =	smov.u32 s26;
	s4 =	sand.u32 @!p2 $0x1, s24  }
0x2d: {  	s0 =	sadd.s32 @!p2 s2, s0;
	_ =	strace @!p2 $0x90000049;
	s7 =	sshll.u32 @!p2 s4, $0xC  }
0x2e: {  	s4 =	sadd.s32 @!p2 $0x3, s4;
	_ =	strace @!p2 $0x8000004A;
	s7 =	sor.u32 @!p2 $0x8000, s7  }
0x2f: {  	[tilespmem:s7], [sflag:s4] =	stream.strided.gather @!p2 [hbm4b:s0+s9], $0x1000, s10, s9, $0x200038;
	[tilespmem:$0x12000] =	vst v63  }
0x30: {  	s14 =	sand.u32 $0x1, s25;
	s16 =	sand.u32 $0x1, s23;
	_ =	strace @!p2 $0x9000004A  }
0x31: {  	s31 =	simm.s32 $0x0;
	s15 =	sadd.s32 $0x1, s14;
	_ =	strace $0x8000004B  }
0x32: {  	s17 =	sadd.s32 $0x3, s16;
	p1 =	por !p1, p0;
	_ =	swait.ge [sflag:s15], $0x4000  }
0x33: {  	s19 =	sshll.u32 s16, $0xC;
	s31 =	simm.s32 @p1 $0x1;
	[sflag:s15] =	ssyncset.done $0x0  }
0x34: {  	s31 =	simm.s32 @p0 $0x0;
	s11 =	sor.u32 $0x8040, s19;
	[sflag:s15] =	ssyncadd.s32 $0xFFFFC000  }
0x35: {  	s12 =	simm.s32 $0x0;
	s0 =	sadd.s32 s6, s30;
	_ =	strace $0x9000004B  }
0x36: {  	s9 =	sadd.s32 @!p2 $0x1, s26;
	s4 =	sand.u32 $0x1, s22;
	_ =	strace $0x8000004C  }
0x37: {  	s7 =	sshll.u32 s14, $0x10;
	s14 =	smov.u32 s11;
	_ =	swait.ge [sflag:s17], $0x1000  }
0x38: {  	s26 =	smov.u32 @p1 s9;
	s18 =	sshll.u32 s4, $0x10;
	[sflag:s17] =	ssyncset.done $0x0  }
0x39: {  	s26 =	smov.u32 @p0 s5;
	[sflag:s17] =	ssyncadd.s32 $0xFFFFF000;
	s17 =	sshrl.u32 s18, $0x2  }
0x3a: {  	s18 =	sshrl.u32 s7, $0x2;
	_ =	strace $0x9000004C;
	s13 =	sor.u32 $0xA000, s17  }
0x3b: {  	s8 =	sor.u32 $0xA040, s17;
	s9 =	sor.u32 $0x40, s18;
	_ =	strace $0x8000004D  }
.LBB2_3:
0x3c: {  	v1 =	vld [tilespmem:s9+$0x30]  }
0x3d: {  	v2 =	vld [tilespmem:s14+$0x30]  }
0x3e: {  	v0 =	vld [tilespmem:s14+$0xFFFFFFC0]  }
0x3f: {  	v3 =	vld [tilespmem:s9+$0xFFFFFFD0]  }
0x40: {  	v4 =	vld [tilespmem:s14+$0xFFFFFFD0]  }
0x41: {  	v5 =	vld [tilespmem:s9+$0xFFFFFFE0]  }
0x42: {  	v6 =	vld [tilespmem:s14+$0xFFFFFFE0]  }
0x43: {  	v7 =	vld [tilespmem:s9+$0xFFFFFFF0]  }
0x44: {  	v8 =	vld [tilespmem:s14+$0xFFFFFFF0]  }
0x45: {  	v9 =	vld [tilespmem:s9+$0x0]  }
0x46: {  	v10 =	vld [tilespmem:s14+$0x0];
	v2 =	vadd.f32 v2, v1  }
0x47: {  	v4 =	vadd.f32 v4, v3;
	v1 =	vld [tilespmem:s9+$0x10]  }
0x48: {  	v5 =	vadd.f32 v6, v5;
	v3 =	vld [tilespmem:s14+$0x10];
	[tilespmem:s8+$0x30] =	vst v2  }
0x49: {  	v6 =	vadd.f32 v8, v7;
	[tilespmem:s8+$0xFFFFFFD0] =	vst v4;
	v2 =	vld [tilespmem:s9+$0x20]  }
0x4a: {  	s7 =	simm.s32 $0x0;
	[tilespmem:s8+$0xFFFFFFE0] =	vst v5;
	v5 =	vld [tilespmem:s14+$0x20]  }
0x4b: {  	s15 =	sadd.s32 $0x200, s9;
	s10 =	smov.u32 s14;
	s5 =	smov.u32 s8;
	v4 =	vld [tilespmem:s9+$0xFFFFFFC0];
	[tilespmem:s8+$0xFFFFFFF0] =	vst v6;
	v6 =	vadd.f32 v10, v9  }
.LBB2_4:
0x4c: {  	v7 =	vld [tilespmem:s15+$0x30];
	s10 =	sadd.s32 $0x200, s10  }
0x4d: {  	s7 =	sadd.s32 $0x80, s7;
	v8 =	vld [tilespmem:s10+$0x30];
	[tilespmem:s5+$0x0] =	vst v6;
	v1 =	vadd.f32 v3, v1  }
0x4e: {  	p1 =	slt.u32 s7, $0x380;
	v3 =	vld [tilespmem:s10+$0xFFFFFFC0]  }
0x4f: {  	v6 =	vld [tilespmem:s15+$0xFFFFFFD0];
	[tilespmem:s5+$0x10] =	vst v1;
	v1 =	vadd.f32 v5, v2  }
0x50: {  	v2 =	vld [tilespmem:s10+$0xFFFFFFD0];
	v9 =	vadd.f32 v0, v4  }
0x51: {  	v4 =	vld [tilespmem:s15+$0xFFFFFFE0];
	[tilespmem:s5+$0x20] =	vst v1  }
0x52: {  	v1 =	vld [tilespmem:s10+$0xFFFFFFE0];
	v5 =	vadd.f32 v8, v7;
	[tilespmem:s5+$0xFFFFFFC0] =	vst v9  }
0x53: {  	s5 =	sadd.s32 $0x200, s5;
	v7 =	vld [tilespmem:s15+$0xFFFFFFF0];
	v0 =	vmov v3  }
0x54: {  	v8 =	vld [tilespmem:s10+$0xFFFFFFF0];
	[tilespmem:s5+$0x30] =	vst v5  }
0x55: {  	v2 =	vadd.f32 v2, v6;
	v6 =	vld [tilespmem:s15+$0x0]  }
0x56: {  	v9 =	vld [tilespmem:s10+$0x0]  }
.Ltmp0:
0x57: {  	[tilespmem:s5+$0xFFFFFFD0] =	vst v2;
	v2 =	vadd.f32 v1, v4;
	v1 =	vld [tilespmem:s15+$0x10];
	(pc) =	sbr.rel @p1 .LBB2_4-.Ltmp0, $4  }
0x58: {  	v3 =	vld [tilespmem:s10+$0x10]  }
0x59: {  	[tilespmem:s5+$0xFFFFFFE0] =	vst v2;
	v7 =	vadd.f32 v8, v7;
	v2 =	vld [tilespmem:s15+$0x20]  }
0x5a: {  	v5 =	vld [tilespmem:s10+$0x20]  }
0x5b: {  	v4 =	vld [tilespmem:s15+$0xFFFFFFC0];
	[tilespmem:s5+$0xFFFFFFF0] =	vst v7;
	v6 =	vadd.f32 v9, v6;
	s15 =	sadd.s32 $0x200, s15  }
0x5c: {  	s12 =	sadd.s32 $0x1, s12  }
0x5d: {  	p1 =	seq.s32 s12, $0x4  }
.Ltmp1:
0x5e: {  	v1 =	vadd.f32 v3, v1;
	(pc) =	sbr.rel @!p1 .LBB2_3-.Ltmp1, $4  }
0x5f: {  	[tilespmem:s5+$0x0] =	vst v6;
	v2 =	vadd.f32 v5, v2  }
0x60: {  	[tilespmem:s5+$0x10] =	vst v1;
	v0 =	vadd.f32 v0, v4  }
0x61: {  	[tilespmem:s5+$0x20] =	vst v2  }
0x62: {  	s8 =	sadd.s32 $0x80, s8;
	s14 =	sadd.s32 $0x80, s14;
	s9 =	sadd.s32 $0x80, s9;
	[tilespmem:s5+$0xFFFFFFC0] =	vst v0  }
0x63: {  	s15 =	sadd.s32 $0xB000, s17;
	s8 =	sadd.s32 $0xB070, s17  }
0x64: {  	s9 =	sadd.s32 $0x1070, s18;
	s12 =	simm.s32 $0x0;
	s14 =	smov.u32 s11  }
.LBB2_7:
0x65: {  	v1 =	vld [tilespmem:s9+$0x0]  }
0x66: {  	v2 =	vld [tilespmem:s14+$0x30]  }
0x67: {  	v0 =	vld [tilespmem:s14+$0xFFFFFFC0]  }
0x68: {  	v3 =	vld [tilespmem:s9+$0xFFFFFFA0]  }
0x69: {  	v4 =	vld [tilespmem:s14+$0xFFFFFFD0]  }
0x6a: {  	v5 =	vld [tilespmem:s9+$0xFFFFFFB0]  }
0x6b: {  	v6 =	vld [tilespmem:s14+$0xFFFFFFE0]  }
0x6c: {  	v7 =	vld [tilespmem:s9+$0xFFFFFFC0]  }
0x6d: {  	v8 =	vld [tilespmem:s14+$0xFFFFFFF0]  }
0x6e: {  	v9 =	vld [tilespmem:s9+$0xFFFFFFD0]  }
0x6f: {  	v10 =	vld [tilespmem:s14+$0x0];
	v2 =	vadd.f32 v2, v1  }
0x70: {  	v4 =	vadd.f32 v4, v3;
	v1 =	vld [tilespmem:s9+$0xFFFFFFE0]  }
0x71: {  	v5 =	vadd.f32 v6, v5;
	v3 =	vld [tilespmem:s14+$0x10];
	[tilespmem:s8+$0x0] =	vst v2  }
0x72: {  	v6 =	vadd.f32 v8, v7;
	[tilespmem:s8+$0xFFFFFFA0] =	vst v4;
	v2 =	vld [tilespmem:s9+$0xFFFFFFF0]  }
0x73: {  	s7 =	simm.s32 $0x0;
	[tilespmem:s8+$0xFFFFFFB0] =	vst v5;
	v5 =	vld [tilespmem:s14+$0x20]  }
0x74: {  	s19 =	sadd.s32 $0x200, s9;
	s10 =	smov.u32 s14;
	s5 =	smov.u32 s8;
	v4 =	vld [tilespmem:s9+$0xFFFFFF90];
	[tilespmem:s8+$0xFFFFFFC0] =	vst v6;
	v6 =	vadd.f32 v10, v9  }
.LBB2_8:
0x75: {  	v7 =	vld [tilespmem:s19+$0x0];
	s10 =	sadd.s32 $0x200, s10  }
0x76: {  	s7 =	sadd.s32 $0x80, s7;
	v8 =	vld [tilespmem:s10+$0x30];
	[tilespmem:s5+$0xFFFFFFD0] =	vst v6;
	v1 =	vadd.f32 v3, v1  }
0x77: {  	p1 =	slt.u32 s7, $0x380;
	v3 =	vld [tilespmem:s10+$0xFFFFFFC0]  }
0x78: {  	v6 =	vld [tilespmem:s19+$0xFFFFFFA0];
	[tilespmem:s5+$0xFFFFFFE0] =	vst v1;
	v1 =	vadd.f32 v5, v2  }
0x79: {  	v2 =	vld [tilespmem:s10+$0xFFFFFFD0];
	v9 =	vadd.f32 v0, v4  }
0x7a: {  	v4 =	vld [tilespmem:s19+$0xFFFFFFB0];
	[tilespmem:s5+$0xFFFFFFF0] =	vst v1  }
0x7b: {  	v1 =	vld [tilespmem:s10+$0xFFFFFFE0];
	v5 =	vadd.f32 v8, v7;
	[tilespmem:s5+$0xFFFFFF90] =	vst v9  }
0x7c: {  	s5 =	sadd.s32 $0x200, s5;
	v7 =	vld [tilespmem:s19+$0xFFFFFFC0];
	v0 =	vmov v3  }
0x7d: {  	v8 =	vld [tilespmem:s10+$0xFFFFFFF0];
	[tilespmem:s5+$0x0] =	vst v5  }
0x7e: {  	v2 =	vadd.f32 v2, v6;
	v6 =	vld [tilespmem:s19+$0xFFFFFFD0]  }
0x7f: {  	v9 =	vld [tilespmem:s10+$0x0]  }
.Ltmp2:
0x80: {  	[tilespmem:s5+$0xFFFFFFA0] =	vst v2;
	v2 =	vadd.f32 v1, v4;
	v1 =	vld [tilespmem:s19+$0xFFFFFFE0];
	(pc) =	sbr.rel @p1 .LBB2_8-.Ltmp2, $4  }
0x81: {  	v3 =	vld [tilespmem:s10+$0x10]  }
0x82: {  	[tilespmem:s5+$0xFFFFFFB0] =	vst v2;
	v7 =	vadd.f32 v8, v7;
	v2 =	vld [tilespmem:s19+$0xFFFFFFF0]  }
0x83: {  	v5 =	vld [tilespmem:s10+$0x20]  }
0x84: {  	v4 =	vld [tilespmem:s19+$0xFFFFFF90];
	[tilespmem:s5+$0xFFFFFFC0] =	vst v7;
	v6 =	vadd.f32 v9, v6;
	s19 =	sadd.s32 $0x200, s19  }
0x85: {  	s12 =	sadd.s32 $0x1, s12  }
0x86: {  	p1 =	seq.s32 s12, $0x4  }
.Ltmp3:
0x87: {  	v1 =	vadd.f32 v3, v1;
	(pc) =	sbr.rel @!p1 .LBB2_7-.Ltmp3, $4  }
0x88: {  	[tilespmem:s5+$0xFFFFFFD0] =	vst v6;
	v2 =	vadd.f32 v5, v2  }
0x89: {  	[tilespmem:s5+$0xFFFFFFE0] =	vst v1;
	v0 =	vadd.f32 v0, v4  }
0x8a: {  	[tilespmem:s5+$0xFFFFFFF0] =	vst v2  }
0x8b: {  	s8 =	sadd.s32 $0x80, s8;
	s14 =	sadd.s32 $0x80, s14;
	s9 =	sadd.s32 $0x80, s9;
	[tilespmem:s5+$0xFFFFFF90] =	vst v0  }
0x8c: {  	s8 =	sadd.s32 $0xC000, s17;
	s7 =	sadd.s32 $0xC070, s17  }
0x8d: {  	s12 =	sadd.s32 $0x2070, s18;
	s14 =	simm.s32 $0x0;
	s16 =	smov.u32 s11  }
.LBB2_11:
0x8e: {  	v1 =	vld [tilespmem:s12+$0x0]  }
0x8f: {  	v2 =	vld [tilespmem:s16+$0x30]  }
0x90: {  	v0 =	vld [tilespmem:s16+$0xFFFFFFC0]  }
0x91: {  	v3 =	vld [tilespmem:s12+$0xFFFFFFA0]  }
0x92: {  	v4 =	vld [tilespmem:s16+$0xFFFFFFD0]  }
0x93: {  	v5 =	vld [tilespmem:s12+$0xFFFFFFB0]  }
0x94: {  	v6 =	vld [tilespmem:s16+$0xFFFFFFE0]  }
0x95: {  	v7 =	vld [tilespmem:s12+$0xFFFFFFC0]  }
0x96: {  	v8 =	vld [tilespmem:s16+$0xFFFFFFF0]  }
0x97: {  	v9 =	vld [tilespmem:s12+$0xFFFFFFD0]  }
0x98: {  	v10 =	vld [tilespmem:s16+$0x0];
	v2 =	vadd.f32 v2, v1  }
0x99: {  	v4 =	vadd.f32 v4, v3;
	v1 =	vld [tilespmem:s12+$0xFFFFFFE0]  }
0x9a: {  	v5 =	vadd.f32 v6, v5;
	v3 =	vld [tilespmem:s16+$0x10];
	[tilespmem:s7+$0x0] =	vst v2  }
0x9b: {  	v6 =	vadd.f32 v8, v7;
	[tilespmem:s7+$0xFFFFFFA0] =	vst v4;
	v2 =	vld [tilespmem:s12+$0xFFFFFFF0]  }
0x9c: {  	s19 =	simm.s32 $0x0;
	[tilespmem:s7+$0xFFFFFFB0] =	vst v5;
	v5 =	vld [tilespmem:s16+$0x20]  }
0x9d: {  	s10 =	sadd.s32 $0x200, s12;
	s5 =	smov.u32 s16;
	s9 =	smov.u32 s7;
	v4 =	vld [tilespmem:s12+$0xFFFFFF90];
	[tilespmem:s7+$0xFFFFFFC0] =	vst v6;
	v6 =	vadd.f32 v10, v9  }
.LBB2_12:
0x9e: {  	v7 =	vld [tilespmem:s10+$0x0];
	s5 =	sadd.s32 $0x200, s5  }
0x9f: {  	s19 =	sadd.s32 $0x80, s19;
	v8 =	vld [tilespmem:s5+$0x30];
	[tilespmem:s9+$0xFFFFFFD0] =	vst v6;
	v1 =	vadd.f32 v3, v1  }
0xa0: {  	p1 =	slt.u32 s19, $0x380;
	v3 =	vld [tilespmem:s5+$0xFFFFFFC0]  }
0xa1: {  	v6 =	vld [tilespmem:s10+$0xFFFFFFA0];
	[tilespmem:s9+$0xFFFFFFE0] =	vst v1;
	v1 =	vadd.f32 v5, v2  }
0xa2: {  	v2 =	vld [tilespmem:s5+$0xFFFFFFD0];
	v9 =	vadd.f32 v0, v4  }
0xa3: {  	v4 =	vld [tilespmem:s10+$0xFFFFFFB0];
	[tilespmem:s9+$0xFFFFFFF0] =	vst v1  }
0xa4: {  	v1 =	vld [tilespmem:s5+$0xFFFFFFE0];
	v5 =	vadd.f32 v8, v7;
	[tilespmem:s9+$0xFFFFFF90] =	vst v9  }
0xa5: {  	s9 =	sadd.s32 $0x200, s9;
	v7 =	vld [tilespmem:s10+$0xFFFFFFC0];
	v0 =	vmov v3  }
0xa6: {  	v8 =	vld [tilespmem:s5+$0xFFFFFFF0];
	[tilespmem:s9+$0x0] =	vst v5  }
0xa7: {  	v2 =	vadd.f32 v2, v6;
	v6 =	vld [tilespmem:s10+$0xFFFFFFD0]  }
0xa8: {  	v9 =	vld [tilespmem:s5+$0x0]  }
.Ltmp4:
0xa9: {  	[tilespmem:s9+$0xFFFFFFA0] =	vst v2;
	v2 =	vadd.f32 v1, v4;
	v1 =	vld [tilespmem:s10+$0xFFFFFFE0];
	(pc) =	sbr.rel @p1 .LBB2_12-.Ltmp4, $4  }
0xaa: {  	v3 =	vld [tilespmem:s5+$0x10]  }
0xab: {  	[tilespmem:s9+$0xFFFFFFB0] =	vst v2;
	v7 =	vadd.f32 v8, v7;
	v2 =	vld [tilespmem:s10+$0xFFFFFFF0]  }
0xac: {  	v5 =	vld [tilespmem:s5+$0x20]  }
0xad: {  	v4 =	vld [tilespmem:s10+$0xFFFFFF90];
	[tilespmem:s9+$0xFFFFFFC0] =	vst v7;
	v6 =	vadd.f32 v9, v6;
	s10 =	sadd.s32 $0x200, s10  }
0xae: {  	s14 =	sadd.s32 $0x1, s14  }
0xaf: {  	p1 =	seq.s32 s14, $0x4  }
.Ltmp5:
0xb0: {  	v1 =	vadd.f32 v3, v1;
	(pc) =	sbr.rel @!p1 .LBB2_11-.Ltmp5, $4  }
0xb1: {  	[tilespmem:s9+$0xFFFFFFD0] =	vst v6;
	v2 =	vadd.f32 v5, v2  }
0xb2: {  	[tilespmem:s9+$0xFFFFFFE0] =	vst v1;
	v0 =	vadd.f32 v0, v4  }
0xb3: {  	[tilespmem:s9+$0xFFFFFFF0] =	vst v2  }
0xb4: {  	s7 =	sadd.s32 $0x80, s7;
	s16 =	sadd.s32 $0x80, s16;
	s12 =	sadd.s32 $0x80, s12;
	[tilespmem:s9+$0xFFFFFF90] =	vst v0  }
0xb5: {  	s9 =	sadd.s32 $0xD000, s17  }
0xb6: {  	s12 =	sadd.s32 $0xD070, s17;
	s14 =	sadd.s32 $0x3070, s18;
	s5 =	simm.s32 $0x0  }
.LBB2_15:
0xb7: {  	v1 =	vld [tilespmem:s14+$0x0]  }
0xb8: {  	v2 =	vld [tilespmem:s11+$0x30]  }
0xb9: {  	v0 =	vld [tilespmem:s11+$0xFFFFFFC0]  }
0xba: {  	v3 =	vld [tilespmem:s14+$0xFFFFFFA0]  }
0xbb: {  	v4 =	vld [tilespmem:s11+$0xFFFFFFD0]  }
0xbc: {  	v5 =	vld [tilespmem:s14+$0xFFFFFFB0]  }
0xbd: {  	v6 =	vld [tilespmem:s11+$0xFFFFFFE0]  }
0xbe: {  	v7 =	vld [tilespmem:s14+$0xFFFFFFC0]  }
0xbf: {  	v8 =	vld [tilespmem:s11+$0xFFFFFFF0]  }
0xc0: {  	v9 =	vld [tilespmem:s14+$0xFFFFFFD0]  }
0xc1: {  	v10 =	vld [tilespmem:s11+$0x0];
	v2 =	vadd.f32 v2, v1  }
0xc2: {  	v4 =	vadd.f32 v4, v3;
	v1 =	vld [tilespmem:s14+$0xFFFFFFE0]  }
0xc3: {  	v5 =	vadd.f32 v6, v5;
	v3 =	vld [tilespmem:s11+$0x10];
	[tilespmem:s12+$0x0] =	vst v2  }
0xc4: {  	v6 =	vadd.f32 v8, v7;
	[tilespmem:s12+$0xFFFFFFA0] =	vst v4;
	v2 =	vld [tilespmem:s14+$0xFFFFFFF0]  }
0xc5: {  	s17 =	simm.s32 $0x0;
	[tilespmem:s12+$0xFFFFFFB0] =	vst v5;
	v5 =	vld [tilespmem:s11+$0x20]  }
0xc6: {  	s10 =	sadd.s32 $0x200, s14;
	s16 =	smov.u32 s11;
	s7 =	smov.u32 s12;
	v4 =	vld [tilespmem:s14+$0xFFFFFF90];
	[tilespmem:s12+$0xFFFFFFC0] =	vst v6;
	v6 =	vadd.f32 v10, v9  }
.LBB2_16:
0xc7: {  	v7 =	vld [tilespmem:s10+$0x0];
	s16 =	sadd.s32 $0x200, s16  }
0xc8: {  	s17 =	sadd.s32 $0x80, s17;
	v8 =	vld [tilespmem:s16+$0x30];
	[tilespmem:s7+$0xFFFFFFD0] =	vst v6;
	v1 =	vadd.f32 v3, v1  }
0xc9: {  	p1 =	slt.u32 s17, $0x380;
	v3 =	vld [tilespmem:s16+$0xFFFFFFC0]  }
0xca: {  	v6 =	vld [tilespmem:s10+$0xFFFFFFA0];
	[tilespmem:s7+$0xFFFFFFE0] =	vst v1;
	v1 =	vadd.f32 v5, v2  }
0xcb: {  	v2 =	vld [tilespmem:s16+$0xFFFFFFD0];
	v9 =	vadd.f32 v0, v4  }
0xcc: {  	v4 =	vld [tilespmem:s10+$0xFFFFFFB0];
	[tilespmem:s7+$0xFFFFFFF0] =	vst v1  }
0xcd: {  	v1 =	vld [tilespmem:s16+$0xFFFFFFE0];
	v5 =	vadd.f32 v8, v7;
	[tilespmem:s7+$0xFFFFFF90] =	vst v9  }
0xce: {  	s7 =	sadd.s32 $0x200, s7;
	v7 =	vld [tilespmem:s10+$0xFFFFFFC0];
	v0 =	vmov v3  }
0xcf: {  	v8 =	vld [tilespmem:s16+$0xFFFFFFF0];
	[tilespmem:s7+$0x0] =	vst v5  }
0xd0: {  	v2 =	vadd.f32 v2, v6;
	v6 =	vld [tilespmem:s10+$0xFFFFFFD0]  }
0xd1: {  	v9 =	vld [tilespmem:s16+$0x0]  }
.Ltmp6:
0xd2: {  	[tilespmem:s7+$0xFFFFFFA0] =	vst v2;
	v2 =	vadd.f32 v1, v4;
	v1 =	vld [tilespmem:s10+$0xFFFFFFE0];
	(pc) =	sbr.rel @p1 .LBB2_16-.Ltmp6, $4  }
0xd3: {  	v3 =	vld [tilespmem:s16+$0x10]  }
0xd4: {  	[tilespmem:s7+$0xFFFFFFB0] =	vst v2;
	v7 =	vadd.f32 v8, v7;
	v2 =	vld [tilespmem:s10+$0xFFFFFFF0]  }
0xd5: {  	v5 =	vld [tilespmem:s16+$0x20]  }
0xd6: {  	v4 =	vld [tilespmem:s10+$0xFFFFFF90];
	[tilespmem:s7+$0xFFFFFFC0] =	vst v7;
	v6 =	vadd.f32 v9, v6;
	s10 =	sadd.s32 $0x200, s10  }
0xd7: {  	s5 =	sadd.s32 $0x1, s5  }
0xd8: {  	p1 =	sne.s32 s5, $0x4  }
.Ltmp7:
0xd9: {  	v1 =	vadd.f32 v3, v1;
	(pc) =	sbr.rel @p1 .LBB2_15-.Ltmp7, $4  }
0xda: {  	[tilespmem:s7+$0xFFFFFFD0] =	vst v6;
	v2 =	vadd.f32 v5, v2  }
0xdb: {  	[tilespmem:s7+$0xFFFFFFE0] =	vst v1;
	v0 =	vadd.f32 v0, v4  }
0xdc: {  	[tilespmem:s7+$0xFFFFFFF0] =	vst v2  }
0xdd: {  	s12 =	sadd.s32 $0x80, s12;
	s11 =	sadd.s32 $0x80, s11;
	s14 =	sadd.s32 $0x80, s14;
	[tilespmem:s7+$0xFFFFFF90] =	vst v0  }
0xde: {  	p1 =	sne.s32 s30, s29  }
0xdf: {  	p0 =	por p0, p1  }
0xe0: {  	s0 =	sshll.u32 @p0 s0, $0xC;
	s5 =	sshll.u32 @p0 s30, $0x9  }
0xe1: {  	s0 =	sand.u32 @p0 $0xFFFFE000, s0;
	s5 =	sand.u32 @p0 $0x200, s5  }
0xe2: {  	_ =	strace $0x9000004D;
	s0 =	sor.u32 @p0 s5, s0  }
0xe3: {  	_ =	strace @p0 $0x8000004E;
	s4 =	sadd.s32 @p0 $0x5, s4;
	s0 =	sshrl.u32 @p0 s0, $0x3  }
0xe4: {  	s7 =	simm.s32 @p0 $0x400;
	s5 =	simm.s32 @p0 $0x200;
	s0 =	sadd.s32 @p0 s3, s0  }
0xe5: {  	[hbm4b:s0+s5] =	stream.strided.scatter @p0 [tilespmem:s13], [sflag:s4], $0x1000, s7, s5, $0x200038;
	[tilespmem:$0x12000] =	vst v63  }
0xe6: {  	s10 =	sadd.s32 @p0 $0x100000, s0  }
0xe7: {  	[hbm4b:s10+s5] =	stream.strided.scatter @p0 [tilespmem:s15], [sflag:s4], $0x1000, s7, s5, $0x200038;
	[tilespmem:$0x12000] =	vst v63  }
0xe8: {  	s10 =	sadd.s32 @p0 $0x200000, s0  }
0xe9: {  	[hbm4b:s10+s5] =	stream.strided.scatter @p0 [tilespmem:s8], [sflag:s4], $0x1000, s7, s5, $0x200038;
	[tilespmem:$0x12000] =	vst v63  }
0xea: {  	p1 =	seq.s32 s28, $0x0;
	s0 =	sadd.s32 @p0 $0x300000, s0  }
0xeb: {  	[hbm4b:s0+s5] =	stream.strided.scatter @p0 [tilespmem:s9], [sflag:s4], $0x1000, s7, s5, $0x200038;
	[tilespmem:$0x12000] =	vst v63  }
0xec: {  	s0 =	sand.u32 @!p1 $0x1, s21;
	_ =	strace @p0 $0x9000004E  }
0xed: {  	s0 =	sadd.s32 @!p1 $0x5, s0;
	_ =	strace @!p1 $0x8000004F  }
0xee: {  	s4 =	simm.s32 $0x1;
	_ =	swait.ge @!p1 [sflag:s0], $0x4000  }
0xef: {  	s4 =	simm.s32 @!p0 $0x0;
	p0 =	sne.s32 s28, $0x0;
	[sflag:s0] =	ssyncset.done @!p1 $0x0  }
0xf0: {  	s28 =	sadd.s32 $0x1, s28;
	[sflag:s0] =	ssyncadd.s32 @!p1 $0xFFFFC000;
	s0 =	simm.s32 $0x1  }
0xf1: {  	s0 =	simm.s32 @!p0 $0x0;
	p0 =	sne.s32 s28, $0x40  }
.Ltmp8:
0xf2: {  	_ = 	snop;
	(pc) =	sbr.rel @p0 .LBB2_2-.Ltmp8, $4  }
0xf3: {  	_ = 	snop  }
0xf4: {  	s24 =	sadd.s32 s24, s31  }
0xf5: {  	s30 =	smov.u32 s29;
	s22 =	sadd.s32 s4, s22;
	s25 =	sadd.s32 s4, s25  }
0xf6: {  	s23 =	sadd.s32 s4, s23;
	_ =	strace @!p1 $0x9000004F;
	s21 =	sadd.s32 s0, s21  }
0xf7: {  	_ =	strace $0x80000050;
	s0 =	simm.s32 $0x6  }
0xf8: {  	_ =	swait.ge [sflag:s0], $0x4000  }
0xf9: {  	s20 =	sadd.s32 $0x1, s20;
	s31 =	rddreg [dreg:$0x6]  }
0xfa: {  	p0 =	sne.s32 s20, s31  }
.Ltmp9:
0xfb: {  	_ = 	snop;
	(pc) =	sbr.rel @p0 .LBB2_1-.Ltmp9, $4  }
0xfc: {  	_ = 	snop  }
0xfd: {  	[sflag:s0] =	ssyncset.done $0x0  }
0xfe: {  	[sflag:s0] =	ssyncadd.s32 $0xFFFFC000  }
0xff: {  	_ =	strace $0x90000050  }
0x100: {  	_ =	sfence.sel $0x180000  }
0x101: {  	[bflag:$0x0] =	sbarrier.arrive $0xFFFF  }
0x102: {  	_ =	strace $0x90000047  }
0x103: {  	s0 =	stileid.u32;
	[bflag:$0x2] =	sbarrier.arrive $0xFFFF  }
0x104: {  	p0 =	sne.s32 s0, $0x0;
	s0 =	rddreg [dreg:$0x3]  }
0x105: {  	s0 =	sadd.s32 @!p0 $0x100000, s0  }
0x106: {  	[sflag:s0] =	ssyncadd.tile.s32 @!p0 $0x1;
	_ =	shalt  }
.Lfunc_end2:
_tile_overlayer_lowered:
.L_overlay_start_2:
0x107: {  	(tag) =	ssettag $0x2  }
0x108: {  	s0 =	rddreg [dreg:$0x0];
	s2 =	stileid.u32  }
0x109: {  	s1 =	rddreg [dreg:$0x1];
	p0 =	sne.s32 s2, $0x0  }
0x10a: {  	s3 =	rddreg [dreg:$0x2];
	[bflag:$0x3] =	sbarrier.arrive $0xFFFF;
	s2 =	simm.s32 @!p0 $0x1C01  }
0x10b: {  	[timem:s3], [sflag:s2] =	dma.local @!p0 [hbm:s0], s1  }
0x10c: {  	s0 =	simm.s32 @!p0 $0x1  }
0x10d: {  	_ =	swait.ge @!p0 [sflag:s0], s1  }
0x10e: {  	s1 =	ssub.s32 @!p0 $0x0, s1;
	[sflag:s0] =	ssyncset.done @!p0 $0x0  }
0x10f: {  	[sflag:s0] =	ssyncadd.s32 @!p0 s1  }
0x110: {  	[bflag:$0x3] =	sbarrier.arrive $0xFFFF  }
0x111: {  	_ =	shalt  }

</sc_bundles>
